<compile_context>
chip_gen: v7x
topology: tpu7x:2x2x1
jax: 0.10.2.dev20260603
libtpu: 0.0.44.dev20260713+nightly
codegen_flags: <defaults>
</compile_context>

<pallas_src>
import functools

import jax
import jax.numpy as jnp
from jax import lax
from jax.experimental import pallas as pl
from jax.experimental.pallas import tpu as pltpu
from jax.experimental.pallas import tpu_sc as plsc

_R = 64
_V = 32000
_L = 16
_NC = 2
_NS = 16
_NW = _NC * _NS
_ROWS_PER_W = _R // _NW
_NCHUNK = _V // _L


def _gumbel():
    key = jax.random.key(42)
    u = jax.random.uniform(key, (_R, _V), dtype=jnp.float32,
                           minval=1e-20, maxval=1.0)
    return -jnp.log(-jnp.log(u))


@functools.partial(
    pl.kernel,
    out_type=jax.ShapeDtypeStruct((_R, _L), jnp.int32),
    mesh=plsc.VectorSubcoreMesh(core_axis_name="c", subcore_axis_name="s",
                                num_cores=_NC, num_subcores=_NS),
    compiler_params=pltpu.CompilerParams(needs_layout_passes=False),
    scratch_types=[
        pltpu.VMEM((_V // 2,), jnp.float32),
        pltpu.VMEM((_V // 2,), jnp.float32),
        pltpu.VMEM((_V // 2,), jnp.float32),
        pltpu.VMEM((_V // 2,), jnp.float32),
        pltpu.VMEM((_L,), jnp.int32),
        pltpu.SemaphoreType.DMA,
        pltpu.SemaphoreType.DMA,
        pltpu.SemaphoreType.DMA,
        pltpu.SemaphoreType.DMA,
    ],
)
def _argmax_rows(x_hbm, g_hbm, out_hbm, xb0, xb1, gb0, gb1, res_v,
                 sx0, sx1, sg0, sg1):
    cid = lax.axis_index("c")
    sid = lax.axis_index("s")
    wid = sid * _NC + cid
    half = _V // 2
    nch = half // _L
    sx = (sx0, sx1)
    sg = (sg0, sg1)
    xbufs = (xb0, xb1)
    gbufs = (gb0, gb1)
    ntask = 2 * _ROWS_PER_W

    def start(t):
        row = wid * _ROWS_PER_W + t // 2
        h = t % 2
        src = pl.ds(h * half, half)
        return (pltpu.async_copy(x_hbm.at[row, src], xbufs[h], sx[h]),
                pltpu.async_copy(g_hbm.at[row, src], gbufs[h], sg[h]))

    init = (jnp.full((_L,), -jnp.inf, jnp.float32),
            jnp.zeros((_L,), jnp.int32))
    cps = start(0)
    carry = init
    for t in range(ntask):
        cps[0].wait()
        cps[1].wait()
        if t + 1 < ntask:
            nxt = start(t + 1)
        h = t % 2
        xv = xbufs[h]
        gv = gbufs[h]
        base = h * half

        def body(i, c, xv=xv, gv=gv, base=base):
            bv, bi = c
            off = i * _L
            v = xv[pl.ds(off, _L)] + gv[pl.ds(off, _L)]
            idx = (base + off) + lax.iota(jnp.int32, _L)
            m = v > bv
            return jnp.where(m, v, bv), jnp.where(m, idx, bi)

        carry = lax.fori_loop(0, nch, body, carry, unroll=8)
        if h == 1:
            bv, bi = carry
            nk, bv1 = lax.sort_key_val(-bi, bv)
            _, bi2 = lax.sort_key_val(bv1, -nk)
            res_v[...] = bi2
            pltpu.sync_copy(res_v, out_hbm.at[wid * _ROWS_PER_W + t // 2])
            carry = init
        if t + 1 < ntask:
            cps = nxt


def kernel(outputs, number_actions=1):
    del number_actions
    out = _argmax_rows(outputs, _gumbel())
    return out[:, 15:16].astype(jnp.int64)

# --- scband reference (transcript-rebuilt; emitter-appended) ---
"""Pipeline reference for scband-softmax-body-26474178413396 (READ-ONLY COPY).

The authoritative reference and input builder live on the scoring server;
editing this copy changes nothing except your own understanding.
"""

import jax, jax.numpy as jnp
import numpy as np

T = 1.0
NUM_ACTIONS = 1

def setup_inputs(seed: int = 0) -> dict:
    key = jax.random.key(seed)
    k1, = jax.random.split(key, 1)
    outputs = jax.random.normal(k1, (64, 32000), dtype=jnp.float32)
    return {"outputs": outputs, "number_actions": NUM_ACTIONS}

def reference(outputs, number_actions=1):
    # probs = softmax(outputs * T)
    probs = jax.nn.softmax(outputs * T, axis=-1)
    # multinomial sampling without replacement via Gumbel top-k trick
    # (matches torch.multinomial(num_samples=number_actions) semantics)
    key = jax.random.key(42)
    logp = jnp.log(probs + 1e-30)
    gumbel = -jnp.log(-jnp.log(jax.random.uniform(key, probs.shape, dtype=probs.dtype, minval=1e-20, maxval=1.0)))
    _, actions = jax.lax.top_k(logp + gumbel, NUM_ACTIONS)
    actions = actions + number_actions * 0
    return actions.astype(jnp.int64)

if __name__ == "__main__":
    import jax
    _d = setup_inputs()
    print(jax.jit(kernel)(*tuple(_d.values())))

</pallas_src>

<mosaic_0001>
#map = affine_map<(d0, d1) -> (0, 0)>
module attributes {stable_mosaic.version = 14 : i64} {
  func.func @_argmax_rows(%arg0: i32, %arg1: i32, %arg2: memref<64x32000xf32, #tpu.memory_space<hbm>>, %arg3: memref<64x32000xf32, #tpu.memory_space<hbm>>, %arg4: memref<64x16xi32, #tpu.memory_space<hbm>>, %arg5: memref<16000xf32, #tpu.memory_space<vmem>>, %arg6: memref<16000xf32, #tpu.memory_space<vmem>>, %arg7: memref<16000xf32, #tpu.memory_space<vmem>>, %arg8: memref<16000xf32, #tpu.memory_space<vmem>>, %arg9: memref<16xi32, #tpu.memory_space<vmem>>, %arg10: memref<!tpu.dma_semaphore, #tpu.memory_space<semaphore_mem>>, %arg11: memref<!tpu.dma_semaphore, #tpu.memory_space<semaphore_mem>>, %arg12: memref<!tpu.dma_semaphore, #tpu.memory_space<semaphore_mem>>, %arg13: memref<!tpu.dma_semaphore, #tpu.memory_space<semaphore_mem>>) attributes {dimension_semantics = [#tpu.dimension_semantics<core_parallel>, #tpu.dimension_semantics<subcore_parallel>], iteration_bounds = array<i64: 2, 16>, scalar_prefetch = 0 : i64, scratch_operands = 9 : i64, tpu.core_type = #tpu.core_type<sc_vector_subcore>, window_params = [{transform_indices = #map}, {transform_indices = #map}, {transform_indices = #map}]} {
    %mul3A = arith.constant 2 : i32
    %mul3A_0 = arith.muli %arg1, %mul3A : i32
    %add3A = arith.addi %mul3A_0, %arg0 : i32
    %broadcast_in_dim3A = arith.constant 0xFF800000 : f32
    %broadcast_in_dim3A_1 = vector.broadcast %broadcast_in_dim3A : f32 to vector<16xf32>
    %broadcast_in_dim3A_2 = arith.constant 0 : i32
    %broadcast_in_dim3A_3 = vector.broadcast %broadcast_in_dim3A_2 : i32 to vector<16xi32>
    %mul3A_4 = arith.constant 2 : i32
    %mul3A_5 = arith.muli %add3A, %mul3A_4 : i32
    %add3A_6 = arith.constant 0 : i32
    %add3A_7 = arith.addi %mul3A_5, %add3A_6 : i32
    %dma_start3A = arith.constant 0 : i32
    %dma_start3A_8 = tpu.memref_slice %arg2[%add3A_7, %dma_start3A] : memref<64x32000xf32, #tpu.memory_space<hbm>> -> memref<1x16000xf32, #tpu.memory_space<hbm>>
    %dma_start3A_9 = tpu.memref_squeeze %dma_start3A_8 : memref<1x16000xf32, #tpu.memory_space<hbm>> -> memref<16000xf32, #tpu.memory_space<hbm>>
    %dma_start3A_10 = arith.constant 0 : i32
    %dma_start3A_11 = tpu.memref_slice %arg2[%add3A_7, %dma_start3A_10] : memref<64x32000xf32, #tpu.memory_space<hbm>> -> memref<1x16000xf32, #tpu.memory_space<hbm>>
    %dma_start3A_12 = tpu.memref_squeeze %dma_start3A_11 : memref<1x16000xf32, #tpu.memory_space<hbm>> -> memref<16000xf32, #tpu.memory_space<hbm>>
    tpu.enqueue_dma source(%dma_start3A_12 : memref<16000xf32, #tpu.memory_space<hbm>>) target(%arg5 : memref<16000xf32, #tpu.memory_space<vmem>>) target_semaphore(%arg10 : memref<!tpu.dma_semaphore, #tpu.memory_space<semaphore_mem>>)
    %dma_start3A_13 = arith.constant 0 : i32
    %dma_start3A_14 = tpu.memref_slice %arg3[%add3A_7, %dma_start3A_13] : memref<64x32000xf32, #tpu.memory_space<hbm>> -> memref<1x16000xf32, #tpu.memory_space<hbm>>
    %dma_start3A_15 = tpu.memref_squeeze %dma_start3A_14 : memref<1x16000xf32, #tpu.memory_space<hbm>> -> memref<16000xf32, #tpu.memory_space<hbm>>
    %dma_start3A_16 = arith.constant 0 : i32
    %dma_start3A_17 = tpu.memref_slice %arg3[%add3A_7, %dma_start3A_16] : memref<64x32000xf32, #tpu.memory_space<hbm>> -> memref<1x16000xf32, #tpu.memory_space<hbm>>
    %dma_start3A_18 = tpu.memref_squeeze %dma_start3A_17 : memref<1x16000xf32, #tpu.memory_space<hbm>> -> memref<16000xf32, #tpu.memory_space<hbm>>
    tpu.enqueue_dma source(%dma_start3A_18 : memref<16000xf32, #tpu.memory_space<hbm>>) target(%arg7 : memref<16000xf32, #tpu.memory_space<vmem>>) target_semaphore(%arg12 : memref<!tpu.dma_semaphore, #tpu.memory_space<semaphore_mem>>)
    %dma_wait3A = arith.constant 0 : i32
    %dma_wait3A_19 = tpu.memref_slice %arg2[%add3A_7, %dma_wait3A] : memref<64x32000xf32, #tpu.memory_space<hbm>> -> memref<1x16000xf32, #tpu.memory_space<hbm>>
    %dma_wait3A_20 = tpu.memref_squeeze %dma_wait3A_19 : memref<1x16000xf32, #tpu.memory_space<hbm>> -> memref<16000xf32, #tpu.memory_space<hbm>>
    %dma_wait3A_21 = arith.constant 0 : i32
    %dma_wait3A_22 = tpu.memref_slice %arg2[%add3A_7, %dma_wait3A_21] : memref<64x32000xf32, #tpu.memory_space<hbm>> -> memref<1x16000xf32, #tpu.memory_space<hbm>>
    %dma_wait3A_23 = tpu.memref_squeeze %dma_wait3A_22 : memref<1x16000xf32, #tpu.memory_space<hbm>> -> memref<16000xf32, #tpu.memory_space<hbm>>
    tpu.wait_dma2 semaphore(%arg10 : memref<!tpu.dma_semaphore, #tpu.memory_space<semaphore_mem>>) src(%dma_wait3A_23 : memref<16000xf32, #tpu.memory_space<hbm>>) dst(%arg5 : memref<16000xf32, #tpu.memory_space<vmem>>)
    %dma_wait3A_24 = arith.constant 0 : i32
    %dma_wait3A_25 = tpu.memref_slice %arg3[%add3A_7, %dma_wait3A_24] : memref<64x32000xf32, #tpu.memory_space<hbm>> -> memref<1x16000xf32, #tpu.memory_space<hbm>>
    %dma_wait3A_26 = tpu.memref_squeeze %dma_wait3A_25 : memref<1x16000xf32, #tpu.memory_space<hbm>> -> memref<16000xf32, #tpu.memory_space<hbm>>
    %dma_wait3A_27 = arith.constant 0 : i32
    %dma_wait3A_28 = tpu.memref_slice %arg3[%add3A_7, %dma_wait3A_27] : memref<64x32000xf32, #tpu.memory_space<hbm>> -> memref<1x16000xf32, #tpu.memory_space<hbm>>
    %dma_wait3A_29 = tpu.memref_squeeze %dma_wait3A_28 : memref<1x16000xf32, #tpu.memory_space<hbm>> -> memref<16000xf32, #tpu.memory_space<hbm>>
    tpu.wait_dma2 semaphore(%arg12 : memref<!tpu.dma_semaphore, #tpu.memory_space<semaphore_mem>>) src(%dma_wait3A_29 : memref<16000xf32, #tpu.memory_space<hbm>>) dst(%arg7 : memref<16000xf32, #tpu.memory_space<vmem>>)
    %mul3A_30 = arith.constant 2 : i32
    %mul3A_31 = arith.muli %add3A, %mul3A_30 : i32
    %add3A_32 = arith.constant 0 : i32
    %add3A_33 = arith.addi %mul3A_31, %add3A_32 : i32
    %dma_start3A_34 = arith.constant 16000 : i32
    %dma_start3A_35 = tpu.memref_slice %arg2[%add3A_33, %dma_start3A_34] : memref<64x32000xf32, #tpu.memory_space<hbm>> -> memref<1x16000xf32, #tpu.memory_space<hbm>>
    %dma_start3A_36 = tpu.memref_squeeze %dma_start3A_35 : memref<1x16000xf32, #tpu.memory_space<hbm>> -> memref<16000xf32, #tpu.memory_space<hbm>>
    %dma_start3A_37 = arith.constant 16000 : i32
    %dma_start3A_38 = tpu.memref_slice %arg2[%add3A_33, %dma_start3A_37] : memref<64x32000xf32, #tpu.memory_space<hbm>> -> memref<1x16000xf32, #tpu.memory_space<hbm>>
    %dma_start3A_39 = tpu.memref_squeeze %dma_start3A_38 : memref<1x16000xf32, #tpu.memory_space<hbm>> -> memref<16000xf32, #tpu.memory_space<hbm>>
    tpu.enqueue_dma source(%dma_start3A_39 : memref<16000xf32, #tpu.memory_space<hbm>>) target(%arg6 : memref<16000xf32, #tpu.memory_space<vmem>>) target_semaphore(%arg11 : memref<!tpu.dma_semaphore, #tpu.memory_space<semaphore_mem>>)
    %dma_start3A_40 = arith.constant 16000 : i32
    %dma_start3A_41 = tpu.memref_slice %arg3[%add3A_33, %dma_start3A_40] : memref<64x32000xf32, #tpu.memory_space<hbm>> -> memref<1x16000xf32, #tpu.memory_space<hbm>>
    %dma_start3A_42 = tpu.memref_squeeze %dma_start3A_41 : memref<1x16000xf32, #tpu.memory_space<hbm>> -> memref<16000xf32, #tpu.memory_space<hbm>>
    %dma_start3A_43 = arith.constant 16000 : i32
    %dma_start3A_44 = tpu.memref_slice %arg3[%add3A_33, %dma_start3A_43] : memref<64x32000xf32, #tpu.memory_space<hbm>> -> memref<1x16000xf32, #tpu.memory_space<hbm>>
    %dma_start3A_45 = tpu.memref_squeeze %dma_start3A_44 : memref<1x16000xf32, #tpu.memory_space<hbm>> -> memref<16000xf32, #tpu.memory_space<hbm>>
    tpu.enqueue_dma source(%dma_start3A_45 : memref<16000xf32, #tpu.memory_space<hbm>>) target(%arg8 : memref<16000xf32, #tpu.memory_space<vmem>>) target_semaphore(%arg13 : memref<!tpu.dma_semaphore, #tpu.memory_space<semaphore_mem>>)
    %scan3A = arith.constant 0 : i32
    %scan3A_46 = arith.constant 1000 : i32
    %scan3A_47 = arith.addi %scan3A, %scan3A_46 : i32
    %scan3A_48 = arith.constant 8 : i32
    %scan3A_49:2 = scf.for %scan3A_174 = %scan3A to %scan3A_47 step %scan3A_48 iter_args(%scan3A_175 = %broadcast_in_dim3A_1, %scan3A_176 = %broadcast_in_dim3A_3) -> (vector<16xf32>, vector<16xi32>)  : i32 {
      %mul3A_177 = arith.constant 16 : i32
      %mul3A_178 = arith.muli %scan3A_174, %mul3A_177 : i32
      %get3A = arith.index_cast %mul3A_178 : i32 to index
      %get3A_179 = tpu.vector_load %arg5[%get3A] {strides = array<i32>} : memref<16000xf32, #tpu.memory_space<vmem>>, vector<16xf32>,
      %get3A_180 = arith.index_cast %mul3A_178 : i32 to index
      %get3A_181 = tpu.vector_load %arg7[%get3A_180] {strides = array<i32>} : memref<16000xf32, #tpu.memory_space<vmem>>, vector<16xf32>,
      %add3A_182 = arith.addf %get3A_179, %get3A_181 : vector<16xf32>
      %add3A_183 = arith.constant 0 : i32
      %add3A_184 = arith.addi %add3A_183, %mul3A_178 : i32
      %iota3A = tpu.iota {dimensions = array<i32: 0>} : vector<16xi32>
      %add3A_185 = vector.broadcast %add3A_184 : i32 to vector<16xi32>
      %add3A_186 = arith.addi %add3A_185, %iota3A : vector<16xi32>
      %gt3A = arith.cmpf ogt, %add3A_182, %scan3A_175 : vector<16xf32>
      %select_n3A = arith.select %gt3A, %add3A_182, %scan3A_175 : vector<16xi1>, vector<16xf32>
      %select_n3A_187 = arith.select %gt3A, %add3A_186, %scan3A_176 : vector<16xi1>, vector<16xi32>
      %scan3A_188 = arith.constant 1 : i32
      %scan3A_189 = arith.addi %scan3A_174, %scan3A_188 : i32
      %mul3A_190 = arith.constant 16 : i32
      %mul3A_191 = arith.muli %scan3A_189, %mul3A_190 : i32
      %get3A_192 = arith.index_cast %mul3A_191 : i32 to index
      %get3A_193 = tpu.vector_load %arg5[%get3A_192] {strides = array<i32>} : memref<16000xf32, #tpu.memory_space<vmem>>, vector<16xf32>,
      %get3A_194 = arith.index_cast %mul3A_191 : i32 to index
      %get3A_195 = tpu.vector_load %arg7[%get3A_194] {strides = array<i32>} : memref<16000xf32, #tpu.memory_space<vmem>>, vector<16xf32>,
      %add3A_196 = arith.addf %get3A_193, %get3A_195 : vector<16xf32>
      %add3A_197 = arith.constant 0 : i32
      %add3A_198 = arith.addi %add3A_197, %mul3A_191 : i32
      %iota3A_199 = tpu.iota {dimensions = array<i32: 0>} : vector<16xi32>
      %add3A_200 = vector.broadcast %add3A_198 : i32 to vector<16xi32>
      %add3A_201 = arith.addi %add3A_200, %iota3A_199 : vector<16xi32>
      %gt3A_202 = arith.cmpf ogt, %add3A_196, %select_n3A : vector<16xf32>
      %select_n3A_203 = arith.select %gt3A_202, %add3A_196, %select_n3A : vector<16xi1>, vector<16xf32>
      %select_n3A_204 = arith.select %gt3A_202, %add3A_201, %select_n3A_187 : vector<16xi1>, vector<16xi32>
      %scan3A_205 = arith.constant 2 : i32
      %scan3A_206 = arith.addi %scan3A_174, %scan3A_205 : i32
      %mul3A_207 = arith.constant 16 : i32
      %mul3A_208 = arith.muli %scan3A_206, %mul3A_207 : i32
      %get3A_209 = arith.index_cast %mul3A_208 : i32 to index
      %get3A_210 = tpu.vector_load %arg5[%get3A_209] {strides = array<i32>} : memref<16000xf32, #tpu.memory_space<vmem>>, vector<16xf32>,
      %get3A_211 = arith.index_cast %mul3A_208 : i32 to index
      %get3A_212 = tpu.vector_load %arg7[%get3A_211] {strides = array<i32>} : memref<16000xf32, #tpu.memory_space<vmem>>, vector<16xf32>,
      %add3A_213 = arith.addf %get3A_210, %get3A_212 : vector<16xf32>
      %add3A_214 = arith.constant 0 : i32
      %add3A_215 = arith.addi %add3A_214, %mul3A_208 : i32
      %iota3A_216 = tpu.iota {dimensions = array<i32: 0>} : vector<16xi32>
      %add3A_217 = vector.broadcast %add3A_215 : i32 to vector<16xi32>
      %add3A_218 = arith.addi %add3A_217, %iota3A_216 : vector<16xi32>
      %gt3A_219 = arith.cmpf ogt, %add3A_213, %select_n3A_203 : vector<16xf32>
      %select_n3A_220 = arith.select %gt3A_219, %add3A_213, %select_n3A_203 : vector<16xi1>, vector<16xf32>
      %select_n3A_221 = arith.select %gt3A_219, %add3A_218, %select_n3A_204 : vector<16xi1>, vector<16xi32>
      %scan3A_222 = arith.constant 3 : i32
      %scan3A_223 = arith.addi %scan3A_174, %scan3A_222 : i32
      %mul3A_224 = arith.constant 16 : i32
      %mul3A_225 = arith.muli %scan3A_223, %mul3A_224 : i32
      %get3A_226 = arith.index_cast %mul3A_225 : i32 to index
      %get3A_227 = tpu.vector_load %arg5[%get3A_226] {strides = array<i32>} : memref<16000xf32, #tpu.memory_space<vmem>>, vector<16xf32>,
      %get3A_228 = arith.index_cast %mul3A_225 : i32 to index
      %get3A_229 = tpu.vector_load %arg7[%get3A_228] {strides = array<i32>} : memref<16000xf32, #tpu.memory_space<vmem>>, vector<16xf32>,
      %add3A_230 = arith.addf %get3A_227, %get3A_229 : vector<16xf32>
      %add3A_231 = arith.constant 0 : i32
      %add3A_232 = arith.addi %add3A_231, %mul3A_225 : i32
      %iota3A_233 = tpu.iota {dimensions = array<i32: 0>} : vector<16xi32>
      %add3A_234 = vector.broadcast %add3A_232 : i32 to vector<16xi32>
      %add3A_235 = arith.addi %add3A_234, %iota3A_233 : vector<16xi32>
      %gt3A_236 = arith.cmpf ogt, %add3A_230, %select_n3A_220 : vector<16xf32>
      %select_n3A_237 = arith.select %gt3A_236, %add3A_230, %select_n3A_220 : vector<16xi1>, vector<16xf32>
      %select_n3A_238 = arith.select %gt3A_236, %add3A_235, %select_n3A_221 : vector<16xi1>, vector<16xi32>
      %scan3A_239 = arith.constant 4 : i32
      %scan3A_240 = arith.addi %scan3A_174, %scan3A_239 : i32
      %mul3A_241 = arith.constant 16 : i32
      %mul3A_242 = arith.muli %scan3A_240, %mul3A_241 : i32
      %get3A_243 = arith.index_cast %mul3A_242 : i32 to index
      %get3A_244 = tpu.vector_load %arg5[%get3A_243] {strides = array<i32>} : memref<16000xf32, #tpu.memory_space<vmem>>, vector<16xf32>,
      %get3A_245 = arith.index_cast %mul3A_242 : i32 to index
      %get3A_246 = tpu.vector_load %arg7[%get3A_245] {strides = array<i32>} : memref<16000xf32, #tpu.memory_space<vmem>>, vector<16xf32>,
      %add3A_247 = arith.addf %get3A_244, %get3A_246 : vector<16xf32>
      %add3A_248 = arith.constant 0 : i32
      %add3A_249 = arith.addi %add3A_248, %mul3A_242 : i32
      %iota3A_250 = tpu.iota {dimensions = array<i32: 0>} : vector<16xi32>
      %add3A_251 = vector.broadcast %add3A_249 : i32 to vector<16xi32>
      %add3A_252 = arith.addi %add3A_251, %iota3A_250 : vector<16xi32>
      %gt3A_253 = arith.cmpf ogt, %add3A_247, %select_n3A_237 : vector<16xf32>
      %select_n3A_254 = arith.select %gt3A_253, %add3A_247, %select_n3A_237 : vector<16xi1>, vector<16xf32>
      %select_n3A_255 = arith.select %gt3A_253, %add3A_252, %select_n3A_238 : vector<16xi1>, vector<16xi32>
      %scan3A_256 = arith.constant 5 : i32
      %scan3A_257 = arith.addi %scan3A_174, %scan3A_256 : i32
      %mul3A_258 = arith.constant 16 : i32
      %mul3A_259 = arith.muli %scan3A_257, %mul3A_258 : i32
      %get3A_260 = arith.index_cast %mul3A_259 : i32 to index
      %get3A_261 = tpu.vector_load %arg5[%get3A_260] {strides = array<i32>} : memref<16000xf32, #tpu.memory_space<vmem>>, vector<16xf32>,
      %get3A_262 = arith.index_cast %mul3A_259 : i32 to index
      %get3A_263 = tpu.vector_load %arg7[%get3A_262] {strides = array<i32>} : memref<16000xf32, #tpu.memory_space<vmem>>, vector<16xf32>,
      %add3A_264 = arith.addf %get3A_261, %get3A_263 : vector<16xf32>
      %add3A_265 = arith.constant 0 : i32
      %add3A_266 = arith.addi %add3A_265, %mul3A_259 : i32
      %iota3A_267 = tpu.iota {dimensions = array<i32: 0>} : vector<16xi32>
      %add3A_268 = vector.broadcast %add3A_266 : i32 to vector<16xi32>
      %add3A_269 = arith.addi %add3A_268, %iota3A_267 : vector<16xi32>
      %gt3A_270 = arith.cmpf ogt, %add3A_264, %select_n3A_254 : vector<16xf32>
      %select_n3A_271 = arith.select %gt3A_270, %add3A_264, %select_n3A_254 : vector<16xi1>, vector<16xf32>
      %select_n3A_272 = arith.select %gt3A_270, %add3A_269, %select_n3A_255 : vector<16xi1>, vector<16xi32>
      %scan3A_273 = arith.constant 6 : i32
      %scan3A_274 = arith.addi %scan3A_174, %scan3A_273 : i32
      %mul3A_275 = arith.constant 16 : i32
      %mul3A_276 = arith.muli %scan3A_274, %mul3A_275 : i32
      %get3A_277 = arith.index_cast %mul3A_276 : i32 to index
      %get3A_278 = tpu.vector_load %arg5[%get3A_277] {strides = array<i32>} : memref<16000xf32, #tpu.memory_space<vmem>>, vector<16xf32>,
      %get3A_279 = arith.index_cast %mul3A_276 : i32 to index
      %get3A_280 = tpu.vector_load %arg7[%get3A_279] {strides = array<i32>} : memref<16000xf32, #tpu.memory_space<vmem>>, vector<16xf32>,
      %add3A_281 = arith.addf %get3A_278, %get3A_280 : vector<16xf32>
      %add3A_282 = arith.constant 0 : i32
      %add3A_283 = arith.addi %add3A_282, %mul3A_276 : i32
      %iota3A_284 = tpu.iota {dimensions = array<i32: 0>} : vector<16xi32>
      %add3A_285 = vector.broadcast %add3A_283 : i32 to vector<16xi32>
      %add3A_286 = arith.addi %add3A_285, %iota3A_284 : vector<16xi32>
      %gt3A_287 = arith.cmpf ogt, %add3A_281, %select_n3A_271 : vector<16xf32>
      %select_n3A_288 = arith.select %gt3A_287, %add3A_281, %select_n3A_271 : vector<16xi1>, vector<16xf32>
      %select_n3A_289 = arith.select %gt3A_287, %add3A_286, %select_n3A_272 : vector<16xi1>, vector<16xi32>
      %scan3A_290 = arith.constant 7 : i32
      %scan3A_291 = arith.addi %scan3A_174, %scan3A_290 : i32
      %mul3A_292 = arith.constant 16 : i32
      %mul3A_293 = arith.muli %scan3A_291, %mul3A_292 : i32
      %get3A_294 = arith.index_cast %mul3A_293 : i32 to index
      %get3A_295 = tpu.vector_load %arg5[%get3A_294] {strides = array<i32>} : memref<16000xf32, #tpu.memory_space<vmem>>, vector<16xf32>,
      %get3A_296 = arith.index_cast %mul3A_293 : i32 to index
      %get3A_297 = tpu.vector_load %arg7[%get3A_296] {strides = array<i32>} : memref<16000xf32, #tpu.memory_space<vmem>>, vector<16xf32>,
      %add3A_298 = arith.addf %get3A_295, %get3A_297 : vector<16xf32>
      %add3A_299 = arith.constant 0 : i32
      %add3A_300 = arith.addi %add3A_299, %mul3A_293 : i32
      %iota3A_301 = tpu.iota {dimensions = array<i32: 0>} : vector<16xi32>
      %add3A_302 = vector.broadcast %add3A_300 : i32 to vector<16xi32>
      %add3A_303 = arith.addi %add3A_302, %iota3A_301 : vector<16xi32>
      %gt3A_304 = arith.cmpf ogt, %add3A_298, %select_n3A_288 : vector<16xf32>
      %select_n3A_305 = arith.select %gt3A_304, %add3A_298, %select_n3A_288 : vector<16xi1>, vector<16xf32>
      %select_n3A_306 = arith.select %gt3A_304, %add3A_303, %select_n3A_289 : vector<16xi1>, vector<16xi32>
      scf.yield %select_n3A_305, %select_n3A_306 : vector<16xf32>, vector<16xi32>
    }
    %scan3A_50 = arith.constant 1000 : i32
    %dma_wait3A_51 = arith.constant 16000 : i32
    %dma_wait3A_52 = tpu.memref_slice %arg2[%add3A_33, %dma_wait3A_51] : memref<64x32000xf32, #tpu.memory_space<hbm>> -> memref<1x16000xf32, #tpu.memory_space<hbm>>
    %dma_wait3A_53 = tpu.memref_squeeze %dma_wait3A_52 : memref<1x16000xf32, #tpu.memory_space<hbm>> -> memref<16000xf32, #tpu.memory_space<hbm>>
    %dma_wait3A_54 = arith.constant 16000 : i32
    %dma_wait3A_55 = tpu.memref_slice %arg2[%add3A_33, %dma_wait3A_54] : memref<64x32000xf32, #tpu.memory_space<hbm>> -> memref<1x16000xf32, #tpu.memory_space<hbm>>
    %dma_wait3A_56 = tpu.memref_squeeze %dma_wait3A_55 : memref<1x16000xf32, #tpu.memory_space<hbm>> -> memref<16000xf32, #tpu.memory_space<hbm>>
    tpu.wait_dma2 semaphore(%arg11 : memref<!tpu.dma_semaphore, #tpu.memory_space<semaphore_mem>>) src(%dma_wait3A_56 : memref<16000xf32, #tpu.memory_space<hbm>>) dst(%arg6 : memref<16000xf32, #tpu.memory_space<vmem>>)
    %dma_wait3A_57 = arith.constant 16000 : i32
    %dma_wait3A_58 = tpu.memref_slice %arg3[%add3A_33, %dma_wait3A_57] : memref<64x32000xf32, #tpu.memory_space<hbm>> -> memref<1x16000xf32, #tpu.memory_space<hbm>>
    %dma_wait3A_59 = tpu.memref_squeeze %dma_wait3A_58 : memref<1x16000xf32, #tpu.memory_space<hbm>> -> memref<16000xf32, #tpu.memory_space<hbm>>
    %dma_wait3A_60 = arith.constant 16000 : i32
    %dma_wait3A_61 = tpu.memref_slice %arg3[%add3A_33, %dma_wait3A_60] : memref<64x32000xf32, #tpu.memory_space<hbm>> -> memref<1x16000xf32, #tpu.memory_space<hbm>>
    %dma_wait3A_62 = tpu.memref_squeeze %dma_wait3A_61 : memref<1x16000xf32, #tpu.memory_space<hbm>> -> memref<16000xf32, #tpu.memory_space<hbm>>
    tpu.wait_dma2 semaphore(%arg13 : memref<!tpu.dma_semaphore, #tpu.memory_space<semaphore_mem>>) src(%dma_wait3A_62 : memref<16000xf32, #tpu.memory_space<hbm>>) dst(%arg8 : memref<16000xf32, #tpu.memory_space<vmem>>)
    %mul3A_63 = arith.constant 2 : i32
    %mul3A_64 = arith.muli %add3A, %mul3A_63 : i32
    %add3A_65 = arith.constant 1 : i32
    %add3A_66 = arith.addi %mul3A_64, %add3A_65 : i32
    %dma_start3A_67 = arith.constant 0 : i32
    %dma_start3A_68 = tpu.memref_slice %arg2[%add3A_66, %dma_start3A_67] : memref<64x32000xf32, #tpu.memory_space<hbm>> -> memref<1x16000xf32, #tpu.memory_space<hbm>>
    %dma_start3A_69 = tpu.memref_squeeze %dma_start3A_68 : memref<1x16000xf32, #tpu.memory_space<hbm>> -> memref<16000xf32, #tpu.memory_space<hbm>>
    %dma_start3A_70 = arith.constant 0 : i32
    %dma_start3A_71 = tpu.memref_slice %arg2[%add3A_66, %dma_start3A_70] : memref<64x32000xf32, #tpu.memory_space<hbm>> -> memref<1x16000xf32, #tpu.memory_space<hbm>>
    %dma_start3A_72 = tpu.memref_squeeze %dma_start3A_71 : memref<1x16000xf32, #tpu.memory_space<hbm>> -> memref<16000xf32, #tpu.memory_space<hbm>>
    tpu.enqueue_dma source(%dma_start3A_72 : memref<16000xf32, #tpu.memory_space<hbm>>) target(%arg5 : memref<16000xf32, #tpu.memory_space<vmem>>) target_semaphore(%arg10 : memref<!tpu.dma_semaphore, #tpu.memory_space<semaphore_mem>>)
    %dma_start3A_73 = arith.constant 0 : i32
    %dma_start3A_74 = tpu.memref_slice %arg3[%add3A_66, %dma_start3A_73] : memref<64x32000xf32, #tpu.memory_space<hbm>> -> memref<1x16000xf32, #tpu.memory_space<hbm>>
    %dma_start3A_75 = tpu.memref_squeeze %dma_start3A_74 : memref<1x16000xf32, #tpu.memory_space<hbm>> -> memref<16000xf32, #tpu.memory_space<hbm>>
    %dma_start3A_76 = arith.constant 0 : i32
    %dma_start3A_77 = tpu.memref_slice %arg3[%add3A_66, %dma_start3A_76] : memref<64x32000xf32, #tpu.memory_space<hbm>> -> memref<1x16000xf32, #tpu.memory_space<hbm>>
    %dma_start3A_78 = tpu.memref_squeeze %dma_start3A_77 : memref<1x16000xf32, #tpu.memory_space<hbm>> -> memref<16000xf32, #tpu.memory_space<hbm>>
    tpu.enqueue_dma source(%dma_start3A_78 : memref<16000xf32, #tpu.memory_space<hbm>>) target(%arg7 : memref<16000xf32, #tpu.memory_space<vmem>>) target_semaphore(%arg12 : memref<!tpu.dma_semaphore, #tpu.memory_space<semaphore_mem>>)
    %scan3A_79 = arith.constant 0 : i32
    %scan3A_80 = arith.constant 1000 : i32
    %scan3A_81 = arith.addi %scan3A_79, %scan3A_80 : i32
    %scan3A_82 = arith.constant 8 : i32
    %scan3A_83:2 = scf.for %scan3A_174 = %scan3A_79 to %scan3A_81 step %scan3A_82 iter_args(%scan3A_175 = %scan3A_49#0, %scan3A_176 = %scan3A_49#1) -> (vector<16xf32>, vector<16xi32>)  : i32 {
      %mul3A_177 = arith.constant 16 : i32
      %mul3A_178 = arith.muli %scan3A_174, %mul3A_177 : i32
      %get3A = arith.index_cast %mul3A_178 : i32 to index
      %get3A_179 = tpu.vector_load %arg6[%get3A] {strides = array<i32>} : memref<16000xf32, #tpu.memory_space<vmem>>, vector<16xf32>,
      %get3A_180 = arith.index_cast %mul3A_178 : i32 to index
      %get3A_181 = tpu.vector_load %arg8[%get3A_180] {strides = array<i32>} : memref<16000xf32, #tpu.memory_space<vmem>>, vector<16xf32>,
      %add3A_182 = arith.addf %get3A_179, %get3A_181 : vector<16xf32>
      %add3A_183 = arith.constant 16000 : i32
      %add3A_184 = arith.addi %add3A_183, %mul3A_178 : i32
      %iota3A = tpu.iota {dimensions = array<i32: 0>} : vector<16xi32>
      %add3A_185 = vector.broadcast %add3A_184 : i32 to vector<16xi32>
      %add3A_186 = arith.addi %add3A_185, %iota3A : vector<16xi32>
      %gt3A = arith.cmpf ogt, %add3A_182, %scan3A_175 : vector<16xf32>
      %select_n3A = arith.select %gt3A, %add3A_182, %scan3A_175 : vector<16xi1>, vector<16xf32>
      %select_n3A_187 = arith.select %gt3A, %add3A_186, %scan3A_176 : vector<16xi1>, vector<16xi32>
      %scan3A_188 = arith.constant 1 : i32
      %scan3A_189 = arith.addi %scan3A_174, %scan3A_188 : i32
      %mul3A_190 = arith.constant 16 : i32
      %mul3A_191 = arith.muli %scan3A_189, %mul3A_190 : i32
      %get3A_192 = arith.index_cast %mul3A_191 : i32 to index
      %get3A_193 = tpu.vector_load %arg6[%get3A_192] {strides = array<i32>} : memref<16000xf32, #tpu.memory_space<vmem>>, vector<16xf32>,
      %get3A_194 = arith.index_cast %mul3A_191 : i32 to index
      %get3A_195 = tpu.vector_load %arg8[%get3A_194] {strides = array<i32>} : memref<16000xf32, #tpu.memory_space<vmem>>, vector<16xf32>,
      %add3A_196 = arith.addf %get3A_193, %get3A_195 : vector<16xf32>
      %add3A_197 = arith.constant 16000 : i32
      %add3A_198 = arith.addi %add3A_197, %mul3A_191 : i32
      %iota3A_199 = tpu.iota {dimensions = array<i32: 0>} : vector<16xi32>
      %add3A_200 = vector.broadcast %add3A_198 : i32 to vector<16xi32>
      %add3A_201 = arith.addi %add3A_200, %iota3A_199 : vector<16xi32>
      %gt3A_202 = arith.cmpf ogt, %add3A_196, %select_n3A : vector<16xf32>
      %select_n3A_203 = arith.select %gt3A_202, %add3A_196, %select_n3A : vector<16xi1>, vector<16xf32>
      %select_n3A_204 = arith.select %gt3A_202, %add3A_201, %select_n3A_187 : vector<16xi1>, vector<16xi32>
      %scan3A_205 = arith.constant 2 : i32
      %scan3A_206 = arith.addi %scan3A_174, %scan3A_205 : i32
      %mul3A_207 = arith.constant 16 : i32
      %mul3A_208 = arith.muli %scan3A_206, %mul3A_207 : i32
      %get3A_209 = arith.index_cast %mul3A_208 : i32 to index
      %get3A_210 = tpu.vector_load %arg6[%get3A_209] {strides = array<i32>} : memref<16000xf32, #tpu.memory_space<vmem>>, vector<16xf32>,
      %get3A_211 = arith.index_cast %mul3A_208 : i32 to index
      %get3A_212 = tpu.vector_load %arg8[%get3A_211] {strides = array<i32>} : memref<16000xf32, #tpu.memory_space<vmem>>, vector<16xf32>,
      %add3A_213 = arith.addf %get3A_210, %get3A_212 : vector<16xf32>
      %add3A_214 = arith.constant 16000 : i32
      %add3A_215 = arith.addi %add3A_214, %mul3A_208 : i32
      %iota3A_216 = tpu.iota {dimensions = array<i32: 0>} : vector<16xi32>
      %add3A_217 = vector.broadcast %add3A_215 : i32 to vector<16xi32>
      %add3A_218 = arith.addi %add3A_217, %iota3A_216 : vector<16xi32>
      %gt3A_219 = arith.cmpf ogt, %add3A_213, %select_n3A_203 : vector<16xf32>
      %select_n3A_220 = arith.select %gt3A_219, %add3A_213, %select_n3A_203 : vector<16xi1>, vector<16xf32>
      %select_n3A_221 = arith.select %gt3A_219, %add3A_218, %select_n3A_204 : vector<16xi1>, vector<16xi32>
      %scan3A_222 = arith.constant 3 : i32
      %scan3A_223 = arith.addi %scan3A_174, %scan3A_222 : i32
      %mul3A_224 = arith.constant 16 : i32
      %mul3A_225 = arith.muli %scan3A_223, %mul3A_224 : i32
      %get3A_226 = arith.index_cast %mul3A_225 : i32 to index
      %get3A_227 = tpu.vector_load %arg6[%get3A_226] {strides = array<i32>} : memref<16000xf32, #tpu.memory_space<vmem>>, vector<16xf32>,
      %get3A_228 = arith.index_cast %mul3A_225 : i32 to index
      %get3A_229 = tpu.vector_load %arg8[%get3A_228] {strides = array<i32>} : memref<16000xf32, #tpu.memory_space<vmem>>, vector<16xf32>,
      %add3A_230 = arith.addf %get3A_227, %get3A_229 : vector<16xf32>
      %add3A_231 = arith.constant 16000 : i32
      %add3A_232 = arith.addi %add3A_231, %mul3A_225 : i32
      %iota3A_233 = tpu.iota {dimensions = array<i32: 0>} : vector<16xi32>
      %add3A_234 = vector.broadcast %add3A_232 : i32 to vector<16xi32>
      %add3A_235 = arith.addi %add3A_234, %iota3A_233 : vector<16xi32>
      %gt3A_236 = arith.cmpf ogt, %add3A_230, %select_n3A_220 : vector<16xf32>
      %select_n3A_237 = arith.select %gt3A_236, %add3A_230, %select_n3A_220 : vector<16xi1>, vector<16xf32>
      %select_n3A_238 = arith.select %gt3A_236, %add3A_235, %select_n3A_221 : vector<16xi1>, vector<16xi32>
      %scan3A_239 = arith.constant 4 : i32
      %scan3A_240 = arith.addi %scan3A_174, %scan3A_239 : i32
      %mul3A_241 = arith.constant 16 : i32
      %mul3A_242 = arith.muli %scan3A_240, %mul3A_241 : i32
      %get3A_243 = arith.index_cast %mul3A_242 : i32 to index
      %get3A_244 = tpu.vector_load %arg6[%get3A_243] {strides = array<i32>} : memref<16000xf32, #tpu.memory_space<vmem>>, vector<16xf32>,
      %get3A_245 = arith.index_cast %mul3A_242 : i32 to index
      %get3A_246 = tpu.vector_load %arg8[%get3A_245] {strides = array<i32>} : memref<16000xf32, #tpu.memory_space<vmem>>, vector<16xf32>,
      %add3A_247 = arith.addf %get3A_244, %get3A_246 : vector<16xf32>
      %add3A_248 = arith.constant 16000 : i32
      %add3A_249 = arith.addi %add3A_248, %mul3A_242 : i32
      %iota3A_250 = tpu.iota {dimensions = array<i32: 0>} : vector<16xi32>
      %add3A_251 = vector.broadcast %add3A_249 : i32 to vector<16xi32>
      %add3A_252 = arith.addi %add3A_251, %iota3A_250 : vector<16xi32>
      %gt3A_253 = arith.cmpf ogt, %add3A_247, %select_n3A_237 : vector<16xf32>
      %select_n3A_254 = arith.select %gt3A_253, %add3A_247, %select_n3A_237 : vector<16xi1>, vector<16xf32>
      %select_n3A_255 = arith.select %gt3A_253, %add3A_252, %select_n3A_238 : vector<16xi1>, vector<16xi32>
      %scan3A_256 = arith.constant 5 : i32
      %scan3A_257 = arith.addi %scan3A_174, %scan3A_256 : i32
      %mul3A_258 = arith.constant 16 : i32
      %mul3A_259 = arith.muli %scan3A_257, %mul3A_258 : i32
      %get3A_260 = arith.index_cast %mul3A_259 : i32 to index
      %get3A_261 = tpu.vector_load %arg6[%get3A_260] {strides = array<i32>} : memref<16000xf32, #tpu.memory_space<vmem>>, vector<16xf32>,
      %get3A_262 = arith.index_cast %mul3A_259 : i32 to index
      %get3A_263 = tpu.vector_load %arg8[%get3A_262] {strides = array<i32>} : memref<16000xf32, #tpu.memory_space<vmem>>, vector<16xf32>,
      %add3A_264 = arith.addf %get3A_261, %get3A_263 : vector<16xf32>
      %add3A_265 = arith.constant 16000 : i32
      %add3A_266 = arith.addi %add3A_265, %mul3A_259 : i32
      %iota3A_267 = tpu.iota {dimensions = array<i32: 0>} : vector<16xi32>
      %add3A_268 = vector.broadcast %add3A_266 : i32 to vector<16xi32>
      %add3A_269 = arith.addi %add3A_268, %iota3A_267 : vector<16xi32>
      %gt3A_270 = arith.cmpf ogt, %add3A_264, %select_n3A_254 : vector<16xf32>
      %select_n3A_271 = arith.select %gt3A_270, %add3A_264, %select_n3A_254 : vector<16xi1>, vector<16xf32>
      %select_n3A_272 = arith.select %gt3A_270, %add3A_269, %select_n3A_255 : vector<16xi1>, vector<16xi32>
      %scan3A_273 = arith.constant 6 : i32
      %scan3A_274 = arith.addi %scan3A_174, %scan3A_273 : i32
      %mul3A_275 = arith.constant 16 : i32
      %mul3A_276 = arith.muli %scan3A_274, %mul3A_275 : i32
      %get3A_277 = arith.index_cast %mul3A_276 : i32 to index
      %get3A_278 = tpu.vector_load %arg6[%get3A_277] {strides = array<i32>} : memref<16000xf32, #tpu.memory_space<vmem>>, vector<16xf32>,
      %get3A_279 = arith.index_cast %mul3A_276 : i32 to index
      %get3A_280 = tpu.vector_load %arg8[%get3A_279] {strides = array<i32>} : memref<16000xf32, #tpu.memory_space<vmem>>, vector<16xf32>,
      %add3A_281 = arith.addf %get3A_278, %get3A_280 : vector<16xf32>
      %add3A_282 = arith.constant 16000 : i32
      %add3A_283 = arith.addi %add3A_282, %mul3A_276 : i32
      %iota3A_284 = tpu.iota {dimensions = array<i32: 0>} : vector<16xi32>
      %add3A_285 = vector.broadcast %add3A_283 : i32 to vector<16xi32>
      %add3A_286 = arith.addi %add3A_285, %iota3A_284 : vector<16xi32>
      %gt3A_287 = arith.cmpf ogt, %add3A_281, %select_n3A_271 : vector<16xf32>
      %select_n3A_288 = arith.select %gt3A_287, %add3A_281, %select_n3A_271 : vector<16xi1>, vector<16xf32>
      %select_n3A_289 = arith.select %gt3A_287, %add3A_286, %select_n3A_272 : vector<16xi1>, vector<16xi32>
      %scan3A_290 = arith.constant 7 : i32
      %scan3A_291 = arith.addi %scan3A_174, %scan3A_290 : i32
      %mul3A_292 = arith.constant 16 : i32
      %mul3A_293 = arith.muli %scan3A_291, %mul3A_292 : i32
      %get3A_294 = arith.index_cast %mul3A_293 : i32 to index
      %get3A_295 = tpu.vector_load %arg6[%get3A_294] {strides = array<i32>} : memref<16000xf32, #tpu.memory_space<vmem>>, vector<16xf32>,
      %get3A_296 = arith.index_cast %mul3A_293 : i32 to index
      %get3A_297 = tpu.vector_load %arg8[%get3A_296] {strides = array<i32>} : memref<16000xf32, #tpu.memory_space<vmem>>, vector<16xf32>,
      %add3A_298 = arith.addf %get3A_295, %get3A_297 : vector<16xf32>
      %add3A_299 = arith.constant 16000 : i32
      %add3A_300 = arith.addi %add3A_299, %mul3A_293 : i32
      %iota3A_301 = tpu.iota {dimensions = array<i32: 0>} : vector<16xi32>
      %add3A_302 = vector.broadcast %add3A_300 : i32 to vector<16xi32>
      %add3A_303 = arith.addi %add3A_302, %iota3A_301 : vector<16xi32>
      %gt3A_304 = arith.cmpf ogt, %add3A_298, %select_n3A_288 : vector<16xf32>
      %select_n3A_305 = arith.select %gt3A_304, %add3A_298, %select_n3A_288 : vector<16xi1>, vector<16xf32>
      %select_n3A_306 = arith.select %gt3A_304, %add3A_303, %select_n3A_289 : vector<16xi1>, vector<16xi32>
      scf.yield %select_n3A_305, %select_n3A_306 : vector<16xf32>, vector<16xi32>
    }
    %scan3A_84 = arith.constant 1000 : i32
    %neg3A = arith.constant 0 : i32
    %neg3A_85 = vector.broadcast %neg3A : i32 to vector<16xi32>
    %neg3A_86 = arith.subi %neg3A_85, %scan3A_83#1 : vector<16xi32>
    %sort3A = arith.constant dense<true> : vector<16xi1>
    %sort3A_87, %sort3A_88, %sort3A_89 = tpu.sort %neg3A_86, %scan3A_83#0 masked %sort3A : (vector<16xi32>, vector<16xf32>, vector<16xi1>) -> (vector<16xi1>, vector<16xi32>, vector<16xf32>)
    %neg3A_90 = arith.constant 0 : i32
    %neg3A_91 = vector.broadcast %neg3A_90 : i32 to vector<16xi32>
    %neg3A_92 = arith.subi %neg3A_91, %sort3A_88 : vector<16xi32>
    %sort3A_93 = arith.constant dense<true> : vector<16xi1>
    %sort3A_94, %sort3A_95, %sort3A_96 = tpu.sort %sort3A_89, %neg3A_92 masked %sort3A_93 : (vector<16xf32>, vector<16xi32>, vector<16xi1>) -> (vector<16xi1>, vector<16xf32>, vector<16xi32>)
    %swap3A = arith.constant 0 : index
    %swap3A_97 = tpu.vector_load %arg9[%swap3A] {strides = array<i32>} : memref<16xi32, #tpu.memory_space<vmem>>, vector<16xi32>,
    tpu.vector_store %arg9[%swap3A], %sort3A_96 {strides = array<i32>} : memref<16xi32, #tpu.memory_space<vmem>>, vector<16xi32>,
    %mul3A_98 = arith.constant 2 : i32
    %mul3A_99 = arith.muli %add3A, %mul3A_98 : i32
    %add3A_100 = arith.constant 0 : i32
    %add3A_101 = arith.addi %mul3A_99, %add3A_100 : i32
    "tpu.region"() ({
      %run_scoped3A = tpu.sem_alloc : memref<!tpu.dma_semaphore, #tpu.memory_space<semaphore_mem>>
      %dma_start3A_174 = arith.constant 0 : i32
      %dma_start3A_175 = tpu.memref_slice %arg4[%add3A_101, %dma_start3A_174] : memref<64x16xi32, #tpu.memory_space<hbm>> -> memref<1x16xi32, #tpu.memory_space<hbm>>
      %dma_start3A_176 = tpu.memref_squeeze %dma_start3A_175 : memref<1x16xi32, #tpu.memory_space<hbm>> -> memref<16xi32, #tpu.memory_space<hbm>>
      %dma_start3A_177 = arith.constant 0 : i32
      %dma_start3A_178 = tpu.memref_slice %arg4[%add3A_101, %dma_start3A_177] : memref<64x16xi32, #tpu.memory_space<hbm>> -> memref<1x16xi32, #tpu.memory_space<hbm>>
      %dma_start3A_179 = tpu.memref_squeeze %dma_start3A_178 : memref<1x16xi32, #tpu.memory_space<hbm>> -> memref<16xi32, #tpu.memory_space<hbm>>
      tpu.enqueue_dma source(%arg9 : memref<16xi32, #tpu.memory_space<vmem>>) target(%dma_start3A_179 : memref<16xi32, #tpu.memory_space<hbm>>) target_semaphore(%run_scoped3A : memref<!tpu.dma_semaphore, #tpu.memory_space<semaphore_mem>>)
      %dma_wait3A_180 = arith.constant 0 : i32
      %dma_wait3A_181 = tpu.memref_slice %arg4[%add3A_101, %dma_wait3A_180] : memref<64x16xi32, #tpu.memory_space<hbm>> -> memref<1x16xi32, #tpu.memory_space<hbm>>
      %dma_wait3A_182 = tpu.memref_squeeze %dma_wait3A_181 : memref<1x16xi32, #tpu.memory_space<hbm>> -> memref<16xi32, #tpu.memory_space<hbm>>
      %dma_wait3A_183 = arith.constant 0 : i32
      %dma_wait3A_184 = tpu.memref_slice %arg4[%add3A_101, %dma_wait3A_183] : memref<64x16xi32, #tpu.memory_space<hbm>> -> memref<1x16xi32, #tpu.memory_space<hbm>>
      %dma_wait3A_185 = tpu.memref_squeeze %dma_wait3A_184 : memref<1x16xi32, #tpu.memory_space<hbm>> -> memref<16xi32, #tpu.memory_space<hbm>>
      tpu.wait_dma2 semaphore(%run_scoped3A : memref<!tpu.dma_semaphore, #tpu.memory_space<semaphore_mem>>) src(%arg9 : memref<16xi32, #tpu.memory_space<vmem>>) dst(%dma_wait3A_185 : memref<16xi32, #tpu.memory_space<hbm>>)
      tpu.yield
    }) : () -> ()
    %dma_wait3A_102 = arith.constant 0 : i32
    %dma_wait3A_103 = tpu.memref_slice %arg2[%add3A_66, %dma_wait3A_102] : memref<64x32000xf32, #tpu.memory_space<hbm>> -> memref<1x16000xf32, #tpu.memory_space<hbm>>
    %dma_wait3A_104 = tpu.memref_squeeze %dma_wait3A_103 : memref<1x16000xf32, #tpu.memory_space<hbm>> -> memref<16000xf32, #tpu.memory_space<hbm>>
    %dma_wait3A_105 = arith.constant 0 : i32
    %dma_wait3A_106 = tpu.memref_slice %arg2[%add3A_66, %dma_wait3A_105] : memref<64x32000xf32, #tpu.memory_space<hbm>> -> memref<1x16000xf32, #tpu.memory_space<hbm>>
    %dma_wait3A_107 = tpu.memref_squeeze %dma_wait3A_106 : memref<1x16000xf32, #tpu.memory_space<hbm>> -> memref<16000xf32, #tpu.memory_space<hbm>>
    tpu.wait_dma2 semaphore(%arg10 : memref<!tpu.dma_semaphore, #tpu.memory_space<semaphore_mem>>) src(%dma_wait3A_107 : memref<16000xf32, #tpu.memory_space<hbm>>) dst(%arg5 : memref<16000xf32, #tpu.memory_space<vmem>>)
    %dma_wait3A_108 = arith.constant 0 : i32
    %dma_wait3A_109 = tpu.memref_slice %arg3[%add3A_66, %dma_wait3A_108] : memref<64x32000xf32, #tpu.memory_space<hbm>> -> memref<1x16000xf32, #tpu.memory_space<hbm>>
    %dma_wait3A_110 = tpu.memref_squeeze %dma_wait3A_109 : memref<1x16000xf32, #tpu.memory_space<hbm>> -> memref<16000xf32, #tpu.memory_space<hbm>>
    %dma_wait3A_111 = arith.constant 0 : i32
    %dma_wait3A_112 = tpu.memref_slice %arg3[%add3A_66, %dma_wait3A_111] : memref<64x32000xf32, #tpu.memory_space<hbm>> -> memref<1x16000xf32, #tpu.memory_space<hbm>>
    %dma_wait3A_113 = tpu.memref_squeeze %dma_wait3A_112 : memref<1x16000xf32, #tpu.memory_space<hbm>> -> memref<16000xf32, #tpu.memory_space<hbm>>
    tpu.wait_dma2 semaphore(%arg12 : memref<!tpu.dma_semaphore, #tpu.memory_space<semaphore_mem>>) src(%dma_wait3A_113 : memref<16000xf32, #tpu.memory_space<hbm>>) dst(%arg7 : memref<16000xf32, #tpu.memory_space<vmem>>)
    %mul3A_114 = arith.constant 2 : i32
    %mul3A_115 = arith.muli %add3A, %mul3A_114 : i32
    %add3A_116 = arith.constant 1 : i32
    %add3A_117 = arith.addi %mul3A_115, %add3A_116 : i32
    %dma_start3A_118 = arith.constant 16000 : i32
    %dma_start3A_119 = tpu.memref_slice %arg2[%add3A_117, %dma_start3A_118] : memref<64x32000xf32, #tpu.memory_space<hbm>> -> memref<1x16000xf32, #tpu.memory_space<hbm>>
    %dma_start3A_120 = tpu.memref_squeeze %dma_start3A_119 : memref<1x16000xf32, #tpu.memory_space<hbm>> -> memref<16000xf32, #tpu.memory_space<hbm>>
    %dma_start3A_121 = arith.constant 16000 : i32
    %dma_start3A_122 = tpu.memref_slice %arg2[%add3A_117, %dma_start3A_121] : memref<64x32000xf32, #tpu.memory_space<hbm>> -> memref<1x16000xf32, #tpu.memory_space<hbm>>
    %dma_start3A_123 = tpu.memref_squeeze %dma_start3A_122 : memref<1x16000xf32, #tpu.memory_space<hbm>> -> memref<16000xf32, #tpu.memory_space<hbm>>
    tpu.enqueue_dma source(%dma_start3A_123 : memref<16000xf32, #tpu.memory_space<hbm>>) target(%arg6 : memref<16000xf32, #tpu.memory_space<vmem>>) target_semaphore(%arg11 : memref<!tpu.dma_semaphore, #tpu.memory_space<semaphore_mem>>)
    %dma_start3A_124 = arith.constant 16000 : i32
    %dma_start3A_125 = tpu.memref_slice %arg3[%add3A_117, %dma_start3A_124] : memref<64x32000xf32, #tpu.memory_space<hbm>> -> memref<1x16000xf32, #tpu.memory_space<hbm>>
    %dma_start3A_126 = tpu.memref_squeeze %dma_start3A_125 : memref<1x16000xf32, #tpu.memory_space<hbm>> -> memref<16000xf32, #tpu.memory_space<hbm>>
    %dma_start3A_127 = arith.constant 16000 : i32
    %dma_start3A_128 = tpu.memref_slice %arg3[%add3A_117, %dma_start3A_127] : memref<64x32000xf32, #tpu.memory_space<hbm>> -> memref<1x16000xf32, #tpu.memory_space<hbm>>
    %dma_start3A_129 = tpu.memref_squeeze %dma_start3A_128 : memref<1x16000xf32, #tpu.memory_space<hbm>> -> memref<16000xf32, #tpu.memory_space<hbm>>
    tpu.enqueue_dma source(%dma_start3A_129 : memref<16000xf32, #tpu.memory_space<hbm>>) target(%arg8 : memref<16000xf32, #tpu.memory_space<vmem>>) target_semaphore(%arg13 : memref<!tpu.dma_semaphore, #tpu.memory_space<semaphore_mem>>)
    %scan3A_130 = arith.constant 0 : i32
    %scan3A_131 = arith.constant 1000 : i32
    %scan3A_132 = arith.addi %scan3A_130, %scan3A_131 : i32
    %scan3A_133 = arith.constant 8 : i32
    %scan3A_134:2 = scf.for %scan3A_174 = %scan3A_130 to %scan3A_132 step %scan3A_133 iter_args(%scan3A_175 = %broadcast_in_dim3A_1, %scan3A_176 = %broadcast_in_dim3A_3) -> (vector<16xf32>, vector<16xi32>)  : i32 {
      %mul3A_177 = arith.constant 16 : i32
      %mul3A_178 = arith.muli %scan3A_174, %mul3A_177 : i32
      %get3A = arith.index_cast %mul3A_178 : i32 to index
      %get3A_179 = tpu.vector_load %arg5[%get3A] {strides = array<i32>} : memref<16000xf32, #tpu.memory_space<vmem>>, vector<16xf32>,
      %get3A_180 = arith.index_cast %mul3A_178 : i32 to index
      %get3A_181 = tpu.vector_load %arg7[%get3A_180] {strides = array<i32>} : memref<16000xf32, #tpu.memory_space<vmem>>, vector<16xf32>,
      %add3A_182 = arith.addf %get3A_179, %get3A_181 : vector<16xf32>
      %add3A_183 = arith.constant 0 : i32
      %add3A_184 = arith.addi %add3A_183, %mul3A_178 : i32
      %iota3A = tpu.iota {dimensions = array<i32: 0>} : vector<16xi32>
      %add3A_185 = vector.broadcast %add3A_184 : i32 to vector<16xi32>
      %add3A_186 = arith.addi %add3A_185, %iota3A : vector<16xi32>
      %gt3A = arith.cmpf ogt, %add3A_182, %scan3A_175 : vector<16xf32>
      %select_n3A = arith.select %gt3A, %add3A_182, %scan3A_175 : vector<16xi1>, vector<16xf32>
      %select_n3A_187 = arith.select %gt3A, %add3A_186, %scan3A_176 : vector<16xi1>, vector<16xi32>
      %scan3A_188 = arith.constant 1 : i32
      %scan3A_189 = arith.addi %scan3A_174, %scan3A_188 : i32
      %mul3A_190 = arith.constant 16 : i32
      %mul3A_191 = arith.muli %scan3A_189, %mul3A_190 : i32
      %get3A_192 = arith.index_cast %mul3A_191 : i32 to index
      %get3A_193 = tpu.vector_load %arg5[%get3A_192] {strides = array<i32>} : memref<16000xf32, #tpu.memory_space<vmem>>, vector<16xf32>,
      %get3A_194 = arith.index_cast %mul3A_191 : i32 to index
      %get3A_195 = tpu.vector_load %arg7[%get3A_194] {strides = array<i32>} : memref<16000xf32, #tpu.memory_space<vmem>>, vector<16xf32>,
      %add3A_196 = arith.addf %get3A_193, %get3A_195 : vector<16xf32>
      %add3A_197 = arith.constant 0 : i32
      %add3A_198 = arith.addi %add3A_197, %mul3A_191 : i32
      %iota3A_199 = tpu.iota {dimensions = array<i32: 0>} : vector<16xi32>
      %add3A_200 = vector.broadcast %add3A_198 : i32 to vector<16xi32>
      %add3A_201 = arith.addi %add3A_200, %iota3A_199 : vector<16xi32>
      %gt3A_202 = arith.cmpf ogt, %add3A_196, %select_n3A : vector<16xf32>
      %select_n3A_203 = arith.select %gt3A_202, %add3A_196, %select_n3A : vector<16xi1>, vector<16xf32>
      %select_n3A_204 = arith.select %gt3A_202, %add3A_201, %select_n3A_187 : vector<16xi1>, vector<16xi32>
      %scan3A_205 = arith.constant 2 : i32
      %scan3A_206 = arith.addi %scan3A_174, %scan3A_205 : i32
      %mul3A_207 = arith.constant 16 : i32
      %mul3A_208 = arith.muli %scan3A_206, %mul3A_207 : i32
      %get3A_209 = arith.index_cast %mul3A_208 : i32 to index
      %get3A_210 = tpu.vector_load %arg5[%get3A_209] {strides = array<i32>} : memref<16000xf32, #tpu.memory_space<vmem>>, vector<16xf32>,
      %get3A_211 = arith.index_cast %mul3A_208 : i32 to index
      %get3A_212 = tpu.vector_load %arg7[%get3A_211] {strides = array<i32>} : memref<16000xf32, #tpu.memory_space<vmem>>, vector<16xf32>,
      %add3A_213 = arith.addf %get3A_210, %get3A_212 : vector<16xf32>
      %add3A_214 = arith.constant 0 : i32
      %add3A_215 = arith.addi %add3A_214, %mul3A_208 : i32
      %iota3A_216 = tpu.iota {dimensions = array<i32: 0>} : vector<16xi32>
      %add3A_217 = vector.broadcast %add3A_215 : i32 to vector<16xi32>
      %add3A_218 = arith.addi %add3A_217, %iota3A_216 : vector<16xi32>
      %gt3A_219 = arith.cmpf ogt, %add3A_213, %select_n3A_203 : vector<16xf32>
      %select_n3A_220 = arith.select %gt3A_219, %add3A_213, %select_n3A_203 : vector<16xi1>, vector<16xf32>
      %select_n3A_221 = arith.select %gt3A_219, %add3A_218, %select_n3A_204 : vector<16xi1>, vector<16xi32>
      %scan3A_222 = arith.constant 3 : i32
      %scan3A_223 = arith.addi %scan3A_174, %scan3A_222 : i32
      %mul3A_224 = arith.constant 16 : i32
      %mul3A_225 = arith.muli %scan3A_223, %mul3A_224 : i32
      %get3A_226 = arith.index_cast %mul3A_225 : i32 to index
      %get3A_227 = tpu.vector_load %arg5[%get3A_226] {strides = array<i32>} : memref<16000xf32, #tpu.memory_space<vmem>>, vector<16xf32>,
      %get3A_228 = arith.index_cast %mul3A_225 : i32 to index
      %get3A_229 = tpu.vector_load %arg7[%get3A_228] {strides = array<i32>} : memref<16000xf32, #tpu.memory_space<vmem>>, vector<16xf32>,
      %add3A_230 = arith.addf %get3A_227, %get3A_229 : vector<16xf32>
      %add3A_231 = arith.constant 0 : i32
      %add3A_232 = arith.addi %add3A_231, %mul3A_225 : i32
      %iota3A_233 = tpu.iota {dimensions = array<i32: 0>} : vector<16xi32>
      %add3A_234 = vector.broadcast %add3A_232 : i32 to vector<16xi32>
      %add3A_235 = arith.addi %add3A_234, %iota3A_233 : vector<16xi32>
      %gt3A_236 = arith.cmpf ogt, %add3A_230, %select_n3A_220 : vector<16xf32>
      %select_n3A_237 = arith.select %gt3A_236, %add3A_230, %select_n3A_220 : vector<16xi1>, vector<16xf32>
      %select_n3A_238 = arith.select %gt3A_236, %add3A_235, %select_n3A_221 : vector<16xi1>, vector<16xi32>
      %scan3A_239 = arith.constant 4 : i32
      %scan3A_240 = arith.addi %scan3A_174, %scan3A_239 : i32
      %mul3A_241 = arith.constant 16 : i32
      %mul3A_242 = arith.muli %scan3A_240, %mul3A_241 : i32
      %get3A_243 = arith.index_cast %mul3A_242 : i32 to index
      %get3A_244 = tpu.vector_load %arg5[%get3A_243] {strides = array<i32>} : memref<16000xf32, #tpu.memory_space<vmem>>, vector<16xf32>,
      %get3A_245 = arith.index_cast %mul3A_242 : i32 to index
      %get3A_246 = tpu.vector_load %arg7[%get3A_245] {strides = array<i32>} : memref<16000xf32, #tpu.memory_space<vmem>>, vector<16xf32>,
      %add3A_247 = arith.addf %get3A_244, %get3A_246 : vector<16xf32>
      %add3A_248 = arith.constant 0 : i32
      %add3A_249 = arith.addi %add3A_248, %mul3A_242 : i32
      %iota3A_250 = tpu.iota {dimensions = array<i32: 0>} : vector<16xi32>
      %add3A_251 = vector.broadcast %add3A_249 : i32 to vector<16xi32>
      %add3A_252 = arith.addi %add3A_251, %iota3A_250 : vector<16xi32>
      %gt3A_253 = arith.cmpf ogt, %add3A_247, %select_n3A_237 : vector<16xf32>
      %select_n3A_254 = arith.select %gt3A_253, %add3A_247, %select_n3A_237 : vector<16xi1>, vector<16xf32>
      %select_n3A_255 = arith.select %gt3A_253, %add3A_252, %select_n3A_238 : vector<16xi1>, vector<16xi32>
      %scan3A_256 = arith.constant 5 : i32
      %scan3A_257 = arith.addi %scan3A_174, %scan3A_256 : i32
      %mul3A_258 = arith.constant 16 : i32
      %mul3A_259 = arith.muli %scan3A_257, %mul3A_258 : i32
      %get3A_260 = arith.index_cast %mul3A_259 : i32 to index
      %get3A_261 = tpu.vector_load %arg5[%get3A_260] {strides = array<i32>} : memref<16000xf32, #tpu.memory_space<vmem>>, vector<16xf32>,
      %get3A_262 = arith.index_cast %mul3A_259 : i32 to index
      %get3A_263 = tpu.vector_load %arg7[%get3A_262] {strides = array<i32>} : memref<16000xf32, #tpu.memory_space<vmem>>, vector<16xf32>,
      %add3A_264 = arith.addf %get3A_261, %get3A_263 : vector<16xf32>
      %add3A_265 = arith.constant 0 : i32
      %add3A_266 = arith.addi %add3A_265, %mul3A_259 : i32
      %iota3A_267 = tpu.iota {dimensions = array<i32: 0>} : vector<16xi32>
      %add3A_268 = vector.broadcast %add3A_266 : i32 to vector<16xi32>
      %add3A_269 = arith.addi %add3A_268, %iota3A_267 : vector<16xi32>
      %gt3A_270 = arith.cmpf ogt, %add3A_264, %select_n3A_254 : vector<16xf32>
      %select_n3A_271 = arith.select %gt3A_270, %add3A_264, %select_n3A_254 : vector<16xi1>, vector<16xf32>
      %select_n3A_272 = arith.select %gt3A_270, %add3A_269, %select_n3A_255 : vector<16xi1>, vector<16xi32>
      %scan3A_273 = arith.constant 6 : i32
      %scan3A_274 = arith.addi %scan3A_174, %scan3A_273 : i32
      %mul3A_275 = arith.constant 16 : i32
      %mul3A_276 = arith.muli %scan3A_274, %mul3A_275 : i32
      %get3A_277 = arith.index_cast %mul3A_276 : i32 to index
      %get3A_278 = tpu.vector_load %arg5[%get3A_277] {strides = array<i32>} : memref<16000xf32, #tpu.memory_space<vmem>>, vector<16xf32>,
      %get3A_279 = arith.index_cast %mul3A_276 : i32 to index
      %get3A_280 = tpu.vector_load %arg7[%get3A_279] {strides = array<i32>} : memref<16000xf32, #tpu.memory_space<vmem>>, vector<16xf32>,
      %add3A_281 = arith.addf %get3A_278, %get3A_280 : vector<16xf32>
      %add3A_282 = arith.constant 0 : i32
      %add3A_283 = arith.addi %add3A_282, %mul3A_276 : i32
      %iota3A_284 = tpu.iota {dimensions = array<i32: 0>} : vector<16xi32>
      %add3A_285 = vector.broadcast %add3A_283 : i32 to vector<16xi32>
      %add3A_286 = arith.addi %add3A_285, %iota3A_284 : vector<16xi32>
      %gt3A_287 = arith.cmpf ogt, %add3A_281, %select_n3A_271 : vector<16xf32>
      %select_n3A_288 = arith.select %gt3A_287, %add3A_281, %select_n3A_271 : vector<16xi1>, vector<16xf32>
      %select_n3A_289 = arith.select %gt3A_287, %add3A_286, %select_n3A_272 : vector<16xi1>, vector<16xi32>
      %scan3A_290 = arith.constant 7 : i32
      %scan3A_291 = arith.addi %scan3A_174, %scan3A_290 : i32
      %mul3A_292 = arith.constant 16 : i32
      %mul3A_293 = arith.muli %scan3A_291, %mul3A_292 : i32
      %get3A_294 = arith.index_cast %mul3A_293 : i32 to index
      %get3A_295 = tpu.vector_load %arg5[%get3A_294] {strides = array<i32>} : memref<16000xf32, #tpu.memory_space<vmem>>, vector<16xf32>,
      %get3A_296 = arith.index_cast %mul3A_293 : i32 to index
      %get3A_297 = tpu.vector_load %arg7[%get3A_296] {strides = array<i32>} : memref<16000xf32, #tpu.memory_space<vmem>>, vector<16xf32>,
      %add3A_298 = arith.addf %get3A_295, %get3A_297 : vector<16xf32>
      %add3A_299 = arith.constant 0 : i32
      %add3A_300 = arith.addi %add3A_299, %mul3A_293 : i32
      %iota3A_301 = tpu.iota {dimensions = array<i32: 0>} : vector<16xi32>
      %add3A_302 = vector.broadcast %add3A_300 : i32 to vector<16xi32>
      %add3A_303 = arith.addi %add3A_302, %iota3A_301 : vector<16xi32>
      %gt3A_304 = arith.cmpf ogt, %add3A_298, %select_n3A_288 : vector<16xf32>
      %select_n3A_305 = arith.select %gt3A_304, %add3A_298, %select_n3A_288 : vector<16xi1>, vector<16xf32>
      %select_n3A_306 = arith.select %gt3A_304, %add3A_303, %select_n3A_289 : vector<16xi1>, vector<16xi32>
      scf.yield %select_n3A_305, %select_n3A_306 : vector<16xf32>, vector<16xi32>
    }
    %scan3A_135 = arith.constant 1000 : i32
    %dma_wait3A_136 = arith.constant 16000 : i32
    %dma_wait3A_137 = tpu.memref_slice %arg2[%add3A_117, %dma_wait3A_136] : memref<64x32000xf32, #tpu.memory_space<hbm>> -> memref<1x16000xf32, #tpu.memory_space<hbm>>
    %dma_wait3A_138 = tpu.memref_squeeze %dma_wait3A_137 : memref<1x16000xf32, #tpu.memory_space<hbm>> -> memref<16000xf32, #tpu.memory_space<hbm>>
    %dma_wait3A_139 = arith.constant 16000 : i32
    %dma_wait3A_140 = tpu.memref_slice %arg2[%add3A_117, %dma_wait3A_139] : memref<64x32000xf32, #tpu.memory_space<hbm>> -> memref<1x16000xf32, #tpu.memory_space<hbm>>
    %dma_wait3A_141 = tpu.memref_squeeze %dma_wait3A_140 : memref<1x16000xf32, #tpu.memory_space<hbm>> -> memref<16000xf32, #tpu.memory_space<hbm>>
    tpu.wait_dma2 semaphore(%arg11 : memref<!tpu.dma_semaphore, #tpu.memory_space<semaphore_mem>>) src(%dma_wait3A_141 : memref<16000xf32, #tpu.memory_space<hbm>>) dst(%arg6 : memref<16000xf32, #tpu.memory_space<vmem>>)
    %dma_wait3A_142 = arith.constant 16000 : i32
    %dma_wait3A_143 = tpu.memref_slice %arg3[%add3A_117, %dma_wait3A_142] : memref<64x32000xf32, #tpu.memory_space<hbm>> -> memref<1x16000xf32, #tpu.memory_space<hbm>>
    %dma_wait3A_144 = tpu.memref_squeeze %dma_wait3A_143 : memref<1x16000xf32, #tpu.memory_space<hbm>> -> memref<16000xf32, #tpu.memory_space<hbm>>
    %dma_wait3A_145 = arith.constant 16000 : i32
    %dma_wait3A_146 = tpu.memref_slice %arg3[%add3A_117, %dma_wait3A_145] : memref<64x32000xf32, #tpu.memory_space<hbm>> -> memref<1x16000xf32, #tpu.memory_space<hbm>>
    %dma_wait3A_147 = tpu.memref_squeeze %dma_wait3A_146 : memref<1x16000xf32, #tpu.memory_space<hbm>> -> memref<16000xf32, #tpu.memory_space<hbm>>
    tpu.wait_dma2 semaphore(%arg13 : memref<!tpu.dma_semaphore, #tpu.memory_space<semaphore_mem>>) src(%dma_wait3A_147 : memref<16000xf32, #tpu.memory_space<hbm>>) dst(%arg8 : memref<16000xf32, #tpu.memory_space<vmem>>)
    %scan3A_148 = arith.constant 0 : i32
    %scan3A_149 = arith.constant 1000 : i32
    %scan3A_150 = arith.addi %scan3A_148, %scan3A_149 : i32
    %scan3A_151 = arith.constant 8 : i32
    %scan3A_152:2 = scf.for %scan3A_174 = %scan3A_148 to %scan3A_150 step %scan3A_151 iter_args(%scan3A_175 = %scan3A_134#0, %scan3A_176 = %scan3A_134#1) -> (vector<16xf32>, vector<16xi32>)  : i32 {
      %mul3A_177 = arith.constant 16 : i32
      %mul3A_178 = arith.muli %scan3A_174, %mul3A_177 : i32
      %get3A = arith.index_cast %mul3A_178 : i32 to index
      %get3A_179 = tpu.vector_load %arg6[%get3A] {strides = array<i32>} : memref<16000xf32, #tpu.memory_space<vmem>>, vector<16xf32>,
      %get3A_180 = arith.index_cast %mul3A_178 : i32 to index
      %get3A_181 = tpu.vector_load %arg8[%get3A_180] {strides = array<i32>} : memref<16000xf32, #tpu.memory_space<vmem>>, vector<16xf32>,
      %add3A_182 = arith.addf %get3A_179, %get3A_181 : vector<16xf32>
      %add3A_183 = arith.constant 16000 : i32
      %add3A_184 = arith.addi %add3A_183, %mul3A_178 : i32
      %iota3A = tpu.iota {dimensions = array<i32: 0>} : vector<16xi32>
      %add3A_185 = vector.broadcast %add3A_184 : i32 to vector<16xi32>
      %add3A_186 = arith.addi %add3A_185, %iota3A : vector<16xi32>
      %gt3A = arith.cmpf ogt, %add3A_182, %scan3A_175 : vector<16xf32>
      %select_n3A = arith.select %gt3A, %add3A_182, %scan3A_175 : vector<16xi1>, vector<16xf32>
      %select_n3A_187 = arith.select %gt3A, %add3A_186, %scan3A_176 : vector<16xi1>, vector<16xi32>
      %scan3A_188 = arith.constant 1 : i32
      %scan3A_189 = arith.addi %scan3A_174, %scan3A_188 : i32
      %mul3A_190 = arith.constant 16 : i32
      %mul3A_191 = arith.muli %scan3A_189, %mul3A_190 : i32
      %get3A_192 = arith.index_cast %mul3A_191 : i32 to index
      %get3A_193 = tpu.vector_load %arg6[%get3A_192] {strides = array<i32>} : memref<16000xf32, #tpu.memory_space<vmem>>, vector<16xf32>,
      %get3A_194 = arith.index_cast %mul3A_191 : i32 to index
      %get3A_195 = tpu.vector_load %arg8[%get3A_194] {strides = array<i32>} : memref<16000xf32, #tpu.memory_space<vmem>>, vector<16xf32>,
      %add3A_196 = arith.addf %get3A_193, %get3A_195 : vector<16xf32>
      %add3A_197 = arith.constant 16000 : i32
      %add3A_198 = arith.addi %add3A_197, %mul3A_191 : i32
      %iota3A_199 = tpu.iota {dimensions = array<i32: 0>} : vector<16xi32>
      %add3A_200 = vector.broadcast %add3A_198 : i32 to vector<16xi32>
      %add3A_201 = arith.addi %add3A_200, %iota3A_199 : vector<16xi32>
      %gt3A_202 = arith.cmpf ogt, %add3A_196, %select_n3A : vector<16xf32>
      %select_n3A_203 = arith.select %gt3A_202, %add3A_196, %select_n3A : vector<16xi1>, vector<16xf32>
      %select_n3A_204 = arith.select %gt3A_202, %add3A_201, %select_n3A_187 : vector<16xi1>, vector<16xi32>
      %scan3A_205 = arith.constant 2 : i32
      %scan3A_206 = arith.addi %scan3A_174, %scan3A_205 : i32
      %mul3A_207 = arith.constant 16 : i32
      %mul3A_208 = arith.muli %scan3A_206, %mul3A_207 : i32
      %get3A_209 = arith.index_cast %mul3A_208 : i32 to index
      %get3A_210 = tpu.vector_load %arg6[%get3A_209] {strides = array<i32>} : memref<16000xf32, #tpu.memory_space<vmem>>, vector<16xf32>,
      %get3A_211 = arith.index_cast %mul3A_208 : i32 to index
      %get3A_212 = tpu.vector_load %arg8[%get3A_211] {strides = array<i32>} : memref<16000xf32, #tpu.memory_space<vmem>>, vector<16xf32>,
      %add3A_213 = arith.addf %get3A_210, %get3A_212 : vector<16xf32>
      %add3A_214 = arith.constant 16000 : i32
      %add3A_215 = arith.addi %add3A_214, %mul3A_208 : i32
      %iota3A_216 = tpu.iota {dimensions = array<i32: 0>} : vector<16xi32>
      %add3A_217 = vector.broadcast %add3A_215 : i32 to vector<16xi32>
      %add3A_218 = arith.addi %add3A_217, %iota3A_216 : vector<16xi32>
      %gt3A_219 = arith.cmpf ogt, %add3A_213, %select_n3A_203 : vector<16xf32>
      %select_n3A_220 = arith.select %gt3A_219, %add3A_213, %select_n3A_203 : vector<16xi1>, vector<16xf32>
      %select_n3A_221 = arith.select %gt3A_219, %add3A_218, %select_n3A_204 : vector<16xi1>, vector<16xi32>
      %scan3A_222 = arith.constant 3 : i32
      %scan3A_223 = arith.addi %scan3A_174, %scan3A_222 : i32
      %mul3A_224 = arith.constant 16 : i32
      %mul3A_225 = arith.muli %scan3A_223, %mul3A_224 : i32
      %get3A_226 = arith.index_cast %mul3A_225 : i32 to index
      %get3A_227 = tpu.vector_load %arg6[%get3A_226] {strides = array<i32>} : memref<16000xf32, #tpu.memory_space<vmem>>, vector<16xf32>,
      %get3A_228 = arith.index_cast %mul3A_225 : i32 to index
      %get3A_229 = tpu.vector_load %arg8[%get3A_228] {strides = array<i32>} : memref<16000xf32, #tpu.memory_space<vmem>>, vector<16xf32>,
      %add3A_230 = arith.addf %get3A_227, %get3A_229 : vector<16xf32>
      %add3A_231 = arith.constant 16000 : i32
      %add3A_232 = arith.addi %add3A_231, %mul3A_225 : i32
      %iota3A_233 = tpu.iota {dimensions = array<i32: 0>} : vector<16xi32>
      %add3A_234 = vector.broadcast %add3A_232 : i32 to vector<16xi32>
      %add3A_235 = arith.addi %add3A_234, %iota3A_233 : vector<16xi32>
      %gt3A_236 = arith.cmpf ogt, %add3A_230, %select_n3A_220 : vector<16xf32>
      %select_n3A_237 = arith.select %gt3A_236, %add3A_230, %select_n3A_220 : vector<16xi1>, vector<16xf32>
      %select_n3A_238 = arith.select %gt3A_236, %add3A_235, %select_n3A_221 : vector<16xi1>, vector<16xi32>
      %scan3A_239 = arith.constant 4 : i32
      %scan3A_240 = arith.addi %scan3A_174, %scan3A_239 : i32
      %mul3A_241 = arith.constant 16 : i32
      %mul3A_242 = arith.muli %scan3A_240, %mul3A_241 : i32
      %get3A_243 = arith.index_cast %mul3A_242 : i32 to index
      %get3A_244 = tpu.vector_load %arg6[%get3A_243] {strides = array<i32>} : memref<16000xf32, #tpu.memory_space<vmem>>, vector<16xf32>,
      %get3A_245 = arith.index_cast %mul3A_242 : i32 to index
      %get3A_246 = tpu.vector_load %arg8[%get3A_245] {strides = array<i32>} : memref<16000xf32, #tpu.memory_space<vmem>>, vector<16xf32>,
      %add3A_247 = arith.addf %get3A_244, %get3A_246 : vector<16xf32>
      %add3A_248 = arith.constant 16000 : i32
      %add3A_249 = arith.addi %add3A_248, %mul3A_242 : i32
      %iota3A_250 = tpu.iota {dimensions = array<i32: 0>} : vector<16xi32>
      %add3A_251 = vector.broadcast %add3A_249 : i32 to vector<16xi32>
      %add3A_252 = arith.addi %add3A_251, %iota3A_250 : vector<16xi32>
      %gt3A_253 = arith.cmpf ogt, %add3A_247, %select_n3A_237 : vector<16xf32>
      %select_n3A_254 = arith.select %gt3A_253, %add3A_247, %select_n3A_237 : vector<16xi1>, vector<16xf32>
      %select_n3A_255 = arith.select %gt3A_253, %add3A_252, %select_n3A_238 : vector<16xi1>, vector<16xi32>
      %scan3A_256 = arith.constant 5 : i32
      %scan3A_257 = arith.addi %scan3A_174, %scan3A_256 : i32
      %mul3A_258 = arith.constant 16 : i32
      %mul3A_259 = arith.muli %scan3A_257, %mul3A_258 : i32
      %get3A_260 = arith.index_cast %mul3A_259 : i32 to index
      %get3A_261 = tpu.vector_load %arg6[%get3A_260] {strides = array<i32>} : memref<16000xf32, #tpu.memory_space<vmem>>, vector<16xf32>,
      %get3A_262 = arith.index_cast %mul3A_259 : i32 to index
      %get3A_263 = tpu.vector_load %arg8[%get3A_262] {strides = array<i32>} : memref<16000xf32, #tpu.memory_space<vmem>>, vector<16xf32>,
      %add3A_264 = arith.addf %get3A_261, %get3A_263 : vector<16xf32>
      %add3A_265 = arith.constant 16000 : i32
      %add3A_266 = arith.addi %add3A_265, %mul3A_259 : i32
      %iota3A_267 = tpu.iota {dimensions = array<i32: 0>} : vector<16xi32>
      %add3A_268 = vector.broadcast %add3A_266 : i32 to vector<16xi32>
      %add3A_269 = arith.addi %add3A_268, %iota3A_267 : vector<16xi32>
      %gt3A_270 = arith.cmpf ogt, %add3A_264, %select_n3A_254 : vector<16xf32>
      %select_n3A_271 = arith.select %gt3A_270, %add3A_264, %select_n3A_254 : vector<16xi1>, vector<16xf32>
      %select_n3A_272 = arith.select %gt3A_270, %add3A_269, %select_n3A_255 : vector<16xi1>, vector<16xi32>
      %scan3A_273 = arith.constant 6 : i32
      %scan3A_274 = arith.addi %scan3A_174, %scan3A_273 : i32
      %mul3A_275 = arith.constant 16 : i32
      %mul3A_276 = arith.muli %scan3A_274, %mul3A_275 : i32
      %get3A_277 = arith.index_cast %mul3A_276 : i32 to index
      %get3A_278 = tpu.vector_load %arg6[%get3A_277] {strides = array<i32>} : memref<16000xf32, #tpu.memory_space<vmem>>, vector<16xf32>,
      %get3A_279 = arith.index_cast %mul3A_276 : i32 to index
      %get3A_280 = tpu.vector_load %arg8[%get3A_279] {strides = array<i32>} : memref<16000xf32, #tpu.memory_space<vmem>>, vector<16xf32>,
      %add3A_281 = arith.addf %get3A_278, %get3A_280 : vector<16xf32>
      %add3A_282 = arith.constant 16000 : i32
      %add3A_283 = arith.addi %add3A_282, %mul3A_276 : i32
      %iota3A_284 = tpu.iota {dimensions = array<i32: 0>} : vector<16xi32>
      %add3A_285 = vector.broadcast %add3A_283 : i32 to vector<16xi32>
      %add3A_286 = arith.addi %add3A_285, %iota3A_284 : vector<16xi32>
      %gt3A_287 = arith.cmpf ogt, %add3A_281, %select_n3A_271 : vector<16xf32>
      %select_n3A_288 = arith.select %gt3A_287, %add3A_281, %select_n3A_271 : vector<16xi1>, vector<16xf32>
      %select_n3A_289 = arith.select %gt3A_287, %add3A_286, %select_n3A_272 : vector<16xi1>, vector<16xi32>
      %scan3A_290 = arith.constant 7 : i32
      %scan3A_291 = arith.addi %scan3A_174, %scan3A_290 : i32
      %mul3A_292 = arith.constant 16 : i32
      %mul3A_293 = arith.muli %scan3A_291, %mul3A_292 : i32
      %get3A_294 = arith.index_cast %mul3A_293 : i32 to index
      %get3A_295 = tpu.vector_load %arg6[%get3A_294] {strides = array<i32>} : memref<16000xf32, #tpu.memory_space<vmem>>, vector<16xf32>,
      %get3A_296 = arith.index_cast %mul3A_293 : i32 to index
      %get3A_297 = tpu.vector_load %arg8[%get3A_296] {strides = array<i32>} : memref<16000xf32, #tpu.memory_space<vmem>>, vector<16xf32>,
      %add3A_298 = arith.addf %get3A_295, %get3A_297 : vector<16xf32>
      %add3A_299 = arith.constant 16000 : i32
      %add3A_300 = arith.addi %add3A_299, %mul3A_293 : i32
      %iota3A_301 = tpu.iota {dimensions = array<i32: 0>} : vector<16xi32>
      %add3A_302 = vector.broadcast %add3A_300 : i32 to vector<16xi32>
      %add3A_303 = arith.addi %add3A_302, %iota3A_301 : vector<16xi32>
      %gt3A_304 = arith.cmpf ogt, %add3A_298, %select_n3A_288 : vector<16xf32>
      %select_n3A_305 = arith.select %gt3A_304, %add3A_298, %select_n3A_288 : vector<16xi1>, vector<16xf32>
      %select_n3A_306 = arith.select %gt3A_304, %add3A_303, %select_n3A_289 : vector<16xi1>, vector<16xi32>
      scf.yield %select_n3A_305, %select_n3A_306 : vector<16xf32>, vector<16xi32>
    }
    %scan3A_153 = arith.constant 1000 : i32
    %neg3A_154 = arith.constant 0 : i32
    %neg3A_155 = vector.broadcast %neg3A_154 : i32 to vector<16xi32>
    %neg3A_156 = arith.subi %neg3A_155, %scan3A_152#1 : vector<16xi32>
    %sort3A_157 = arith.constant dense<true> : vector<16xi1>
    %sort3A_158, %sort3A_159, %sort3A_160 = tpu.sort %neg3A_156, %scan3A_152#0 masked %sort3A_157 : (vector<16xi32>, vector<16xf32>, vector<16xi1>) -> (vector<16xi1>, vector<16xi32>, vector<16xf32>)
    %neg3A_161 = arith.constant 0 : i32
    %neg3A_162 = vector.broadcast %neg3A_161 : i32 to vector<16xi32>
    %neg3A_163 = arith.subi %neg3A_162, %sort3A_159 : vector<16xi32>
    %sort3A_164 = arith.constant dense<true> : vector<16xi1>
    %sort3A_165, %sort3A_166, %sort3A_167 = tpu.sort %sort3A_160, %neg3A_163 masked %sort3A_164 : (vector<16xf32>, vector<16xi32>, vector<16xi1>) -> (vector<16xi1>, vector<16xf32>, vector<16xi32>)
    %swap3A_168 = arith.constant 0 : index
    %swap3A_169 = tpu.vector_load %arg9[%swap3A_168] {strides = array<i32>} : memref<16xi32, #tpu.memory_space<vmem>>, vector<16xi32>,
    tpu.vector_store %arg9[%swap3A_168], %sort3A_167 {strides = array<i32>} : memref<16xi32, #tpu.memory_space<vmem>>, vector<16xi32>,
    %mul3A_170 = arith.constant 2 : i32
    %mul3A_171 = arith.muli %add3A, %mul3A_170 : i32
    %add3A_172 = arith.constant 1 : i32
    %add3A_173 = arith.addi %mul3A_171, %add3A_172 : i32
    "tpu.region"() ({
      %run_scoped3A = tpu.sem_alloc : memref<!tpu.dma_semaphore, #tpu.memory_space<semaphore_mem>>
      %dma_start3A_174 = arith.constant 0 : i32
      %dma_start3A_175 = tpu.memref_slice %arg4[%add3A_173, %dma_start3A_174] : memref<64x16xi32, #tpu.memory_space<hbm>> -> memref<1x16xi32, #tpu.memory_space<hbm>>
      %dma_start3A_176 = tpu.memref_squeeze %dma_start3A_175 : memref<1x16xi32, #tpu.memory_space<hbm>> -> memref<16xi32, #tpu.memory_space<hbm>>
      %dma_start3A_177 = arith.constant 0 : i32
      %dma_start3A_178 = tpu.memref_slice %arg4[%add3A_173, %dma_start3A_177] : memref<64x16xi32, #tpu.memory_space<hbm>> -> memref<1x16xi32, #tpu.memory_space<hbm>>
      %dma_start3A_179 = tpu.memref_squeeze %dma_start3A_178 : memref<1x16xi32, #tpu.memory_space<hbm>> -> memref<16xi32, #tpu.memory_space<hbm>>
      tpu.enqueue_dma source(%arg9 : memref<16xi32, #tpu.memory_space<vmem>>) target(%dma_start3A_179 : memref<16xi32, #tpu.memory_space<hbm>>) target_semaphore(%run_scoped3A : memref<!tpu.dma_semaphore, #tpu.memory_space<semaphore_mem>>)
      %dma_wait3A_180 = arith.constant 0 : i32
      %dma_wait3A_181 = tpu.memref_slice %arg4[%add3A_173, %dma_wait3A_180] : memref<64x16xi32, #tpu.memory_space<hbm>> -> memref<1x16xi32, #tpu.memory_space<hbm>>
      %dma_wait3A_182 = tpu.memref_squeeze %dma_wait3A_181 : memref<1x16xi32, #tpu.memory_space<hbm>> -> memref<16xi32, #tpu.memory_space<hbm>>
      %dma_wait3A_183 = arith.constant 0 : i32
      %dma_wait3A_184 = tpu.memref_slice %arg4[%add3A_173, %dma_wait3A_183] : memref<64x16xi32, #tpu.memory_space<hbm>> -> memref<1x16xi32, #tpu.memory_space<hbm>>
      %dma_wait3A_185 = tpu.memref_squeeze %dma_wait3A_184 : memref<1x16xi32, #tpu.memory_space<hbm>> -> memref<16xi32, #tpu.memory_space<hbm>>
      tpu.wait_dma2 semaphore(%run_scoped3A : memref<!tpu.dma_semaphore, #tpu.memory_space<semaphore_mem>>) src(%arg9 : memref<16xi32, #tpu.memory_space<vmem>>) dst(%dma_wait3A_185 : memref<16xi32, #tpu.memory_space<hbm>>)
      tpu.yield
    }) : () -> ()
    return
  }
}

</mosaic_0001>

<sc_bundles>
// kernel: kernel.3.cloned.1.call-start
scs
__scs_entry_jumppad:
0x0: {  	(pc) =	sbr.rel $0x88, $3  }
0x1: {  	(tag) =	ssettag $0x0;
	lr =	simm.s32 $0x1  }
0x2: {  	[smem:$0x3FA0] =	sst lr;
	_ =	strace $0xD0000000  }
0x3: {  	_ = 	snop  }
0x4: {  	_ = 	snop  }
0x5: {  	_ = 	snop  }
0x6: {  	_ = 	snop  }
0x7: {  	_ = 	snop  }
__scs_overlays_trampoline_lowered:
0x8: {  	[smem:$0x3FAF] =	sst s0  }
0x9: {  	[smem:$0x3FB0] =	sst s1  }
0xa: {  	[smem:$0x3FB1] =	sst s2  }
0xb: {  	[smem:$0x3FB2] =	sst s3  }
0xc: {  	[smem:$0x3FB3] =	sst s4  }
0xd: {  	[smem:$0x3FB4] =	sst s5  }
0xe: {  	[smem:$0x3FB5] =	sst s6  }
0xf: {  	[smem:$0x3FB6] =	sst s7  }
0x10: {  	[smem:$0x3FB7] =	sst s8  }
0x11: {  	[smem:$0x3FB8] =	sst s9;
	s0 =	simm.s32 @!p0 $0x0  }
0x12: {  	s1 =	sld [smem:$0x3F9E];
	s0 =	simm.s32 @p0 $0x1  }
0x13: {  	[smem:$0x3FB9] =	sst s0;
	s0 =	simm.s32 @!p1 $0x0  }
0x14: {  	s2 =	sld [smem:$0x3F9D];
	s0 =	simm.s32 @p1 $0x1  }
0x15: {  	[smem:$0x3FBA] =	sst s0;
	s0 =	simm.s32 @!p2 $0x0  }
0x16: {  	s3 =	sld [smem:$0x3FDB];
	s0 =	simm.s32 @p2 $0x1  }
0x17: {  	s4 =	simm.s32 $0x1BF5;
	[smem:$0x3FBC] =	sst s0  }
0x18: {  	s0 =	sld [smem:$0x3F9F];
	_ =	swait.ge [sflag:s4], $0x0  }
0x19: {  	s7 =	sld [smem:$0x3FA0]  }
0x1a: {  	s8 =	sadd.s32 $0xFFFFE003, lr  }
0x1b: {  	s9 =	sadd.s32 $0xFFFFFEF7, lr;
	s5 =	simm.s32 $0xFFFFFFFF;
	p2 =	slt.u32 s8, $0xFFFFF086  }
0x1c: {  	p1 =	slt.u32 s9, $0xF7A;
	s5 =	simm.s32 @!p2 $0x0  }
0x1d: {  	s5 =	simm.s32 @p1 $0x1;
	p0 =	seq.s32 s7, s2  }
0x1e: {  	s7 =	smul.u32 @!p0 $0xF7A, s2;
	p2 =	seq.s32 @!p0 s5, $0x0  }
0x1f: {  	s9 =	smul.u32 $0xF7A, s1;
	s8 =	simm.s32 @!p0 $0x1BF5;
	p2 =	por !p2, p0  }
0x20: {  	[sflag:s8] =	ssyncset.s32 @!p0 $0xFFFFF086;
	s6 =	sadd.s32 @!p0 s3, s7;
	s7 =	simm.s32 @!p0 $0x108  }
0x21: {  	s3 =	sadd.s32 s3, s9;
	s6 =	sadd.s32 @!p0 $0x88, s6;
	s7 =	simm.s32 @p2 $0x1082  }
0x22: {  	[simem:s7], [sflag:s8] =	dma.local @!p0 [hbm:s6], $0xF7A  }
0x23: {  	s9 =	sor.u32 $0xD0000000, s2;
	s6 =	simm.s32 $0x108;
	_ =	swait.ge @!p0 [sflag:s8], $0x0  }
0x24: {  	s3 =	sadd.s32 $0x88, s3;
	s6 =	simm.s32 @!p1 $0x1082;
	[sflag:s4] =	ssyncset.s32 $0xFFFFF086  }
0x25: {  	[simem:s6], [sflag:s4] =	dma.local [hbm:s3], $0xF7A  }
0x26: {  	[smem:$0x3FA0] =	sst s1;
	(tag) =	ssettag s2;
	_ =	strace s9  }
0x27: {  	s1 =	sld [smem:$0x3FB0]  }
0x28: {  	s2 =	sld [smem:$0x3FB1]  }
0x29: {  	s4 =	sld [smem:$0x3FB3]  }
0x2a: {  	p0 =	seq.s32 s5, $0x0;
	s5 =	sld [smem:$0x3FB4]  }
0x2b: {  	s6 =	sld [smem:$0x3FB5]  }
0x2c: {  	s7 =	sld [smem:$0x3FB6]  }
0x2d: {  	s3 =	simm.s32 $0x108;
	s8 =	sld [smem:$0x3FB7]  }
0x2e: {  	s3 =	simm.s32 @!p0 $0x1082;
	s9 =	sld [smem:$0x3FB8]  }
0x2f: {  	lr =	sadd.s32 s0, s3;
	s0 =	sld [smem:$0x3FAF]  }
0x30: {  	s3 =	sld [smem:$0x3FB2]  }
0x31: {  	[smem:$0x3FBB] =	sst s10  }
0x32: {  	s10 =	sld [smem:$0x3FB9];
	_ =	sdelay $0x3  }
0x33: {  	p0 =	seq.s32 s10, $0x1;
	s10 =	sld [smem:$0x3FBB];
	_ =	sdelay $0x3  }
0x34: {  	[smem:$0x3FBB] =	sst s10  }
0x35: {  	s10 =	sld [smem:$0x3FBA];
	_ =	sdelay $0x3  }
0x36: {  	p1 =	seq.s32 s10, $0x1;
	s10 =	sld [smem:$0x3FBB];
	_ =	sdelay $0x3  }
0x37: {  	[smem:$0x3FBB] =	sst s10  }
0x38: {  	s10 =	sld [smem:$0x3FBC]  }
0x39: {  	_ = 	snop;
	(pc) =	sbr.ind lr, $3  }
0x3a: {  	_ = 	snop  }
0x3b: {  	_ = 	snop  }
0x3c: {  	p2 =	seq.s32 s10, $0x1;
	s10 =	sld [smem:$0x3FBB]  }
0x3d: {  	_ =	shalt  }
0x3e: {  	_ =	shalt  }
0x3f: {  	_ =	shalt  }
0x40: {  	_ =	shalt  }
0x41: {  	_ =	shalt  }
0x42: {  	_ =	shalt  }
0x43: {  	_ =	shalt  }
0x44: {  	_ =	shalt  }
0x45: {  	_ =	shalt  }
0x46: {  	_ =	shalt  }
0x47: {  	_ =	shalt  }
0x48: {  	_ =	shalt  }
0x49: {  	_ =	shalt  }
0x4a: {  	_ =	shalt  }
0x4b: {  	_ =	shalt  }
0x4c: {  	_ =	shalt  }
0x4d: {  	_ =	shalt  }
0x4e: {  	_ =	shalt  }
0x4f: {  	_ =	shalt  }
0x50: {  	_ =	shalt  }
0x51: {  	_ =	shalt  }
0x52: {  	_ =	shalt  }
0x53: {  	_ =	shalt  }
0x54: {  	_ =	shalt  }
0x55: {  	_ =	shalt  }
0x56: {  	_ =	shalt  }
0x57: {  	_ =	shalt  }
0x58: {  	_ =	shalt  }
0x59: {  	_ =	shalt  }
0x5a: {  	_ =	shalt  }
0x5b: {  	_ =	shalt  }
0x5c: {  	_ =	shalt  }
0x5d: {  	_ =	shalt  }
0x5e: {  	_ =	shalt  }
0x5f: {  	_ =	shalt  }
0x60: {  	_ =	shalt  }
0x61: {  	_ =	shalt  }
0x62: {  	_ =	shalt  }
0x63: {  	_ =	shalt  }
0x64: {  	_ =	shalt  }
0x65: {  	_ =	shalt  }
0x66: {  	_ =	shalt  }
0x67: {  	_ =	shalt  }
0x68: {  	_ =	shalt  }
0x69: {  	_ =	shalt  }
0x6a: {  	_ =	shalt  }
0x6b: {  	_ =	shalt  }
0x6c: {  	_ =	shalt  }
0x6d: {  	_ =	shalt  }
0x6e: {  	_ =	shalt  }
0x6f: {  	_ =	shalt  }
0x70: {  	_ =	shalt  }
0x71: {  	_ =	shalt  }
0x72: {  	_ =	shalt  }
0x73: {  	_ =	shalt  }
0x74: {  	_ =	shalt  }
0x75: {  	_ =	shalt  }
0x76: {  	_ =	shalt  }
0x77: {  	_ =	shalt  }
0x78: {  	_ =	shalt  }
0x79: {  	_ =	shalt  }
0x7a: {  	_ =	shalt  }
0x7b: {  	_ =	shalt  }
0x7c: {  	_ =	shalt  }
0x7d: {  	_ =	shalt  }
0x7e: {  	_ =	shalt  }
0x7f: {  	_ =	shalt  }
0x80: {  	_ =	shalt  }
0x81: {  	_ =	shalt  }
0x82: {  	_ =	shalt  }
0x83: {  	_ =	shalt  }
0x84: {  	_ =	shalt  }
0x85: {  	_ =	shalt  }
0x86: {  	_ =	shalt  }
0x87: {  	_ =	shalt  }
.Lfunc_end0:
.L_simem_size_0:
called_computation_lowered:
.L_overlay_start_0:
0x88: {  	s2 =	sld [smem:$0x3FD9]  }
0x89: {  	s3 =	sld [smem:$0x3FFE];
	_ =	sdelay $0x1  }
0x8a: {  	s1 =	srdreg.scid  }
0x8b: {  	s0 =	sand.u32 $0x1, s1  }
0x8c: {  	s17 =	sshll.u32 s0, $0xA;
	s2 =	sadd.s32 s3, s2  }
0x8d: {  	s2 =	sadd.s32 s2, s17  }
0x8e: {  	[smem:$0x3FC7] =	sst s2  }
0x8f: {  	_ = 	snop  }
0x90: {  	s2 =	sld [smem:$0x3FC9];
	(tm) =	ssettm $0x1  }
0x91: {  	s18 =	sld [smem:$0x3FFB];
	_ =	sdelay $0x3  }
0x92: {  	_ =	strace s18  }
0x93: {  	s3 =	sld [smem:$0x3FFC];
	_ =	sdelay $0x3  }
0x94: {  	_ =	strace s3  }
0x95: {  	s3 =	sld [smem:$0x3FFD];
	_ =	sdelay $0x3  }
0x96: {  	_ =	strace s3  }
0x97: {  	_ =	strace $0x8FFFFFFF  }
0x98: {  	s19 =	sld [smem:$0x3FDB];
	_ =	sdelay $0x1  }
0x99: {  	s4 =	simm.s32 $_scs_section_size  }
0x9a: {  	s5 =	simm.s32 $_size__tile_overlayer_lowered;
	s6 =	simm.s32 $_tile_overlayer_lowered  }
0x9b: {  	s22 =	simm.s32 $0x1BFF;
	s21 =	sshll.u32 s6, $0x1;
	s3 =	sadd.s32 s4, s19  }
0x9c: {  	s7 =	simm.s32 $0x0;
	s20 =	sshll.u32 s5, $0x1;
	s5 =	sadd.s32 s21, s3  }
0x9d: {  	[timem:s7], [sflag:s22] =	dma.local [hbm:s5], s20  }
0x9e: {  	_ =	swait.ge [sflag:s22], s20  }
0x9f: {  	s4 =	ssub.s32 $0x0, s20;
	[sflag:s22] =	ssyncset.done $0x0  }
0xa0: {  	[sflag:s22] =	ssyncadd.s32 s4;
	_ =	sdelay $0x1  }
0xa1: {  	s23 =	simm.s32 $0x1B8B  }
0xa2: {  	_ =	swait.ge [sflag:s23], $0x1  }
0xa3: {  	[sflag:s23] =	ssyncset.done $0x0  }
0xa4: {  	s25 =	simm.s32 $0x1B8E;
	s24 =	sld [smem:$0x3FFE];
	[sflag:s23] =	ssyncadd.s32 $0xFFFFFFFF  }
0xa5: {  	s26 =	simm.s32 $execute0_lowered;
	[smem:$0x3FD2] =	sst s25  }
0xa6: {  	s5 =	sshll.u32 s26, $0x1;
	_ =	strace $0x80000046;
	[dreg:$0x1] =	wrdreg $0xFFFFFFFF  }
0xa7: {  	s28 =	simm.s32 $_size_execute0_lowered;
	s3 =	sadd.s32 s3, s5;
	[dreg:$0x0] =	wrdreg $0x0  }
0xa8: {  	s5 =	sshll.u32 s28, $0x1;
	[dreg:$0x2] =	wrdreg s3  }
0xa9: {  	[dreg:$0x3] =	wrdreg s5  }
0xaa: {  	[dreg:$0x4] =	wrdreg $0xC0  }
0xab: {  	_ =	task [dreg:s7], $0x5FFFF  }
0xac: {  	[dreg:$0x1] =	wrdreg $0xFFFFFFFF  }
0xad: {  	[dreg:$0x0] =	wrdreg $0x60  }
0xae: {  	[dreg:$0x2] =	wrdreg s2  }
0xaf: {  	[dreg:$0x3] =	wrdreg s24  }
0xb0: {  	[dreg:$0x4] =	wrdreg $0x9  }
0xb1: {  	_ =	task.clear_ibuf [dreg:s7], $0x5FFFF;
	_ =	strace $0x90000046  }
0xb2: {  	s29 =	simm.s32 $0x9;
	_ =	strace $0x80000048  }
0xb3: {  	_ =	swait.ge [sflag:s29], $0x1  }
0xb4: {  	[sflag:s29] =	ssyncadd.s32 $0xFFFFFFFF  }
0xb5: {  	_ =	strace $0x90000048  }
0xb6: {  	_ =	sfence  }
0xb7: {  	s30 =	sld [smem:$0x0];
	_ =	sdelay $0x2  }
0xb8: {  	s31 =	sshll.u32 s1, $0xD;
	s1 =	sshrl.u32 s1, $0x2  }
0xb9: {  	s3 =	sand.u32 $0x4000, s31;
	s1 =	sadd.s32 s1, s30  }
0xba: {  	s0 =	sor.u32 s3, s0;
	s1 =	sshll.u32 s1, $0x11  }
0xbb: {  	s0 =	sor.u32 s1, s0  }
0xbc: {  	s0 =	sadd.s32 $0x8F2B, s0  }
0xbd: {  	[sflag:s0] =	ssyncadd.remote.s32 $0x1  }
0xbe: {  	_ =	sfence.sel $0xFFFF  }
0xbf: {  	[dreg:$0x0] =	wrdreg $0xFFFFFFFF;
	(pc) =	sbr.abs _section_cstart, $3  }
0xc0: {  	[dreg:$0x1] =	wrdreg $0xFFFFFFFF  }
0xc1: {  	_ =	task.clear_ibuf [dreg:s7], $0x2FFFF;
	_ =	strace $0x9FFFFFFF  }
0xc2: {  	(tm) =	ssettm $0x7FFFFFFF  }
0xc3: {  	_ =	shalt  }
tec
execute0_lowered:
.L_overlay_start_1:
0x0: {  	(tag) =	ssettag $0x1  }
0x1: {  	s10 =	rddreg [dreg:$0x0]  }
0x2: {  	s3 =	rddreg [dreg:$0x1]  }
0x3: {  	s0 =	rddreg [dreg:$0x2];
	s1 =	simm.s32 $0x0  }
0x4: {  	s4 =	srdreg.scid;
	s2 =	stileid.u32;
	s18 =	simm.s32 $0x3  }
0x5: {  	s19 =	simm.s32 $0x3E80;
	s20 =	simm.s32 $0xBB80;
	s21 =	simm.s32 $0x2  }
0x6: {  	s22 =	simm.s32 $0x4;
	s23 =	simm.s32 $0xFA00;
	s24 =	simm.s32 $0x5  }
0x7: {  	s25 =	simm.s32 $0x0;
	[smem:$0x7FF] =	sst s1;
	s11 =	sadd.s32 $0x600, s3  }
0x8: {  	s4 =	sand.u32 $0x1, s4;
	s6 =	sshll.u32 s2, $0x9;
	s8 =	sshrl.u32 s2, $0x1  }
0x9: {  	s12 =	sadd.s32 $0x3EE00, s3;
	_ =	strace $0x80000047;
	s5 =	ssub.s32 $0x2, s4  }
0xa: {  	s4 =	sshll.u32 s4, $0x8;
	s7 =	smul.u32 $0x3E800, s8;
	s6 =	sand.u32 $0x200, s6  }
0xb: {  	s17 =	sshll.u32 s8, $0xA;
	s26 =	sshrl.u32 s5, $0x1;
	s9 =	sor.u32 s4, s6  }
0xc: {  	s13 =	ssub.s32 s5, s26;
	s28 =	sor.u32 s7, s9;
	s14 =	sadd.s32 $0x1F400, s7  }
0xd: {  	s15 =	sor.u32 $0x80, s9;
	s29 =	sshrl.u32 s28, $0x3;
	s30 =	sor.u32 s9, s14  }
0xe: {  	s7 =	sor.u32 s7, s15;
	s9 =	sor.u32 s17, s9;
	s14 =	sor.u32 s14, s15  }
0xf: {  	s15 =	sor.u32 s17, s15;
	s13 =	smax.u32 s13, $0x1;
	s17 =	simm.s32 $0x1  }
0x10: {  	s3 =	sadd.s32 s10, s29;
	s31 =	sshrl.u32 s30, $0x3;
	s4 =	sadd.s32 s11, s29  }
0x11: {  	s16 =	sshrl.u32 s7, $0x3;
	s9 =	sshrl.u32 s9, $0x3;
	s14 =	sshrl.u32 s14, $0x3  }
0x12: {  	s15 =	sshrl.u32 s15, $0x3;
	s5 =	sadd.s32 s10, s31;
	s6 =	sadd.s32 s11, s31  }
0x13: {  	s7 =	sadd.s32 s10, s16;
	s8 =	sadd.s32 s11, s16;
	s9 =	sadd.s32 s12, s9  }
0x14: {  	s10 =	sadd.s32 s10, s14;
	s11 =	sadd.s32 s11, s14;
	s12 =	sadd.s32 s12, s15  }
0x15: {  	v0 =	vlaneseq.u32;
	s14 =	simm.s32 $0x80;
	s15 =	simm.s32 $0x400;
	s16 =	simm.s32 $0x7D00  }
.LBB2_1:
0x16: {  	[tilespmem:s1], [sflag:$0x1] =	stream.strided.gather [hbm4b:s3+s14], $0x3E80, s15, s14, $0x38;
	[tilespmem:$0xFA80] =	vst v63  }
0x17: {  	_ = 	snop  }
0x18: {  	[tilespmem:s16], [sflag:$0x3] =	stream.strided.gather [hbm4b:s4+s14], $0x3E80, s15, s14, $0x38;
	[tilespmem:$0xFA80] =	vst v63  }
0x19: {  	_ =	swait.ge [sflag:s17], $0x3E80  }
0x1a: {  	[sflag:s17] =	ssyncset.done $0x0  }
0x1b: {  	[sflag:s17] =	ssyncadd.s32 $0xFFFFC180  }
0x1c: {  	_ =	swait.ge [sflag:s18], $0x3E80  }
0x1d: {  	[sflag:s18] =	ssyncset.done $0x0  }
0x1e: {  	[sflag:s18] =	ssyncadd.s32 $0xFFFFC180  }
0x1f: {  	[tilespmem:s19], [sflag:$0x2] =	stream.strided.gather [hbm4b:s5+s14], $0x3E80, s15, s14, $0x38;
	[tilespmem:$0xFA80] =	vst v63  }
0x20: {  	s29 =	simm.s32 $0x40  }
0x21: {  	[tilespmem:s20], [sflag:$0x4] =	stream.strided.gather [hbm4b:s6+s14], $0x3E80, s15, s14, $0x38;
	[tilespmem:$0xFA80] =	vst v63  }
0x22: {  	s26 =	simm.s32 $0x7D40;
	v1 =	vld [tilespmem:s29+$0xFFFFFFC0]  }
0x23: {  	v2 =	vld [tilespmem:s26+$0xFFFFFFC0]  }
0x24: {  	v3 =	vld [tilespmem:s29+$0xFFFFFFD0]  }
0x25: {  	v4 =	vld [tilespmem:s26+$0xFFFFFFD0]  }
0x26: {  	v5 =	vld [tilespmem:s29+$0xFFFFFFE0]  }
0x27: {  	v6 =	vld [tilespmem:s26+$0xFFFFFFE0]  }
0x28: {  	v7 =	vld [tilespmem:s29+$0xFFFFFFF0];
	v1 =	vadd.f32 v2, v1  }
0x29: {  	v8 =	vld [tilespmem:s26+$0xFFFFFFF0];
	v2 =	vimm.f32 $-Inf  }
0x2a: {  	s28 =	simm.s32 $0x0;
	v9 =	vld [tilespmem:s29+$0x0];
	v3 =	vadd.f32 v4, v3;
	vm0 =	vgt.f32 v1, v2  }
0x2b: {  	v11 =	vor.u32 s28, v0;
	v10 =	vld [tilespmem:s26+$0x0];
	v1 =	vsel vm0, v1, v2  }
0x2c: {  	s30 =	simm.s32 $0x30;
	v4 =	vimm.s32 $0x0;
	v5 =	vadd.f32 v6, v5;
	v2 =	vld [tilespmem:s29+$0x10];
	vm1 =	vgt.f32 v3, v1  }
0x2d: {  	s28 =	simm.s32 $0x10;
	v12 =	vor.u32 s30, v0;
	v6 =	vsel vm0, v11, v4;
	v4 =	vld [tilespmem:s26+$0x10];
	v3 =	vsel vm1, v3, v1  }
0x2e: {  	v8 =	vadd.f32 v8, v7;
	v11 =	vor.u32 s28, v0;
	s28 =	simm.s32 $0x20;
	v1 =	vld [tilespmem:s29+$0x20];
	vm14 =	vgt.f32 v5, v3  }
0x2f: {  	v7 =	vor.u32 s28, v0;
	v6 =	vsel vm1, v11, v6;
	v11 =	vsel vm14, v5, v3;
	v5 =	vld [tilespmem:s26+$0x20]  }
0x30: {  	s31 =	simm.s32 $0x40;
	v6 =	vsel vm14, v7, v6;
	v3 =	vld [tilespmem:s29+$0x30];
	v7 =	vadd.f32 v10, v9;
	vm15 =	vgt.f32 v8, v11  }
0x31: {  	s30 =	simm.s32 $0xC0;
	s28 =	simm.s32 $0x70;
	s29 =	simm.s32 $0x0;
	v9 =	vsel vm15, v8, v11;
	v8 =	vsel vm15, v12, v6;
	v6 =	vld [tilespmem:s26+$0x30]  }
.LBB2_2:
0x32: {  	v10 =	vld [tilespmem:s30+$0xFFFFFFC0];
	v11 =	vor.u32 s31, v0;
	vm0 =	vgt.f32 v7, v9;
	v2 =	vadd.f32 v4, v2;
	s26 =	sadd.s32 $0x80, s26  }
0x33: {  	s29 =	sadd.s32 $0x8, s29;
	s31 =	sadd.s32 $0xFFFFFFE0, s28;
	v4 =	vld [tilespmem:s26+$0xFFFFFFC0];
	v7 =	vsel vm0, v7, v9;
	v8 =	vsel vm0, v11, v8  }
0x34: {  	p0 =	slt.u32 s29, $0x3E0;
	v11 =	vor.u32 s31, v0;
	v9 =	vld [tilespmem:s30+$0xFFFFFFD0];
	vm0 =	vgt.f32 v2, v7;
	v1 =	vadd.f32 v5, v1  }
0x35: {  	s31 =	sadd.s32 $0xFFFFFFF0, s28;
	v5 =	vld [tilespmem:s26+$0xFFFFFFD0];
	v2 =	vsel vm0, v2, v7;
	v7 =	vsel vm0, v11, v8  }
0x36: {  	v11 =	vor.u32 s31, v0;
	v8 =	vld [tilespmem:s30+$0xFFFFFFE0];
	vm0 =	vgt.f32 v1, v2;
	v3 =	vadd.f32 v6, v3  }
0x37: {  	v6 =	vld [tilespmem:s26+$0xFFFFFFE0];
	v1 =	vsel vm0, v1, v2;
	v2 =	vsel vm0, v11, v7  }
0x38: {  	v4 =	vadd.f32 v4, v10;
	v7 =	vld [tilespmem:s30+$0xFFFFFFF0];
	v10 =	vor.u32 s28, v0;
	vm0 =	vgt.f32 v3, v1;
	s28 =	sadd.s32 $0x80, s28  }
0x39: {  	s31 =	sadd.s32 $0xFFFFFF90, s28;
	v11 =	vld [tilespmem:s26+$0xFFFFFFF0];
	v1 =	vsel vm0, v3, v1;
	v2 =	vsel vm0, v10, v2  }
0x3a: {  	v3 =	vor.u32 s31, v0;
	vm0 =	vgt.f32 v4, v1;
	v5 =	vadd.f32 v5, v9;
	v9 =	vld [tilespmem:s30+$0x0]  }
0x3b: {  	s31 =	sadd.s32 $0xFFFFFFA0, s28;
	v1 =	vsel vm0, v4, v1;
	v3 =	vsel vm0, v3, v2;
	v10 =	vld [tilespmem:s26+$0x0]  }
0x3c: {  	v4 =	vor.u32 s31, v0;
	vm0 =	vgt.f32 v5, v1;
	v6 =	vadd.f32 v6, v8;
	v2 =	vld [tilespmem:s30+$0x10]  }
.Ltmp0:
0x3d: {  	s31 =	sadd.s32 $0xFFFFFFB0, s28;
	v5 =	vsel vm0, v5, v1;
	v3 =	vsel vm0, v4, v3;
	v4 =	vld [tilespmem:s26+$0x10];
	(pc) =	sbr.rel @p0 .LBB2_2-.Ltmp0, $4  }
0x3e: {  	v8 =	vor.u32 s31, v0;
	vm0 =	vgt.f32 v6, v5;
	v11 =	vadd.f32 v11, v7;
	v1 =	vld [tilespmem:s30+$0x20]  }
0x3f: {  	s31 =	sadd.s32 $0xFFFFFFC0, s28;
	v6 =	vsel vm0, v6, v5;
	v8 =	vsel vm0, v8, v3;
	v5 =	vld [tilespmem:s26+$0x20]  }
0x40: {  	v12 =	vor.u32 s31, v0;
	vm0 =	vgt.f32 v11, v6;
	v7 =	vadd.f32 v10, v9;
	v3 =	vld [tilespmem:s30+$0x30]  }
0x41: {  	s31 =	sadd.s32 $0xFFFFFFD0, s28;
	s30 =	sadd.s32 $0x80, s30;
	v9 =	vsel vm0, v11, v6;
	v8 =	vsel vm0, v12, v8;
	v6 =	vld [tilespmem:s26+$0x30]  }
0x42: {  	_ =	swait.ge [sflag:s21], $0x3E80  }
0x43: {  	[sflag:s21] =	ssyncset.done $0x0  }
0x44: {  	[sflag:s21] =	ssyncadd.s32 $0xFFFFC180  }
0x45: {  	_ =	swait.ge [sflag:s22], $0x3E80  }
0x46: {  	[sflag:s22] =	ssyncset.done $0x0  }
0x47: {  	[sflag:s22] =	ssyncadd.s32 $0xFFFFC180  }
0x48: {  	[tilespmem:s1], [sflag:$0x1] =	stream.strided.gather [hbm4b:s7+s14], $0x3E80, s15, s14, $0x38;
	[tilespmem:$0xFA80] =	vst v63  }
0x49: {  	s29 =	simm.s32 $0x3EC0  }
0x4a: {  	vm0 =	vgt.f32 v7, v9;
	v2 =	vadd.f32 v4, v2;
	[tilespmem:s16], [sflag:$0x3] =	stream.strided.gather [hbm4b:s8+s14], $0x3E80, s15, s14, $0x38;
	[tilespmem:$0xFA80] =	vst v63  }
0x4b: {  	s26 =	simm.s32 $0xBBC0;
	v7 =	vsel vm0, v7, v9;
	v4 =	vld [tilespmem:s29+$0xFFFFFFC0]  }
0x4c: {  	vm1 =	vgt.f32 v2, v7;
	v1 =	vadd.f32 v5, v1;
	v9 =	vld [tilespmem:s26+$0xFFFFFFC0]  }
0x4d: {  	v2 =	vsel vm1, v2, v7;
	v5 =	vld [tilespmem:s29+$0xFFFFFFD0]  }
0x4e: {  	v10 =	vor.u32 s31, v0;
	s30 =	sadd.s32 $0xFFFFFFE0, s28;
	vm10 =	vgt.f32 v1, v2;
	v3 =	vadd.f32 v6, v3;
	v7 =	vld [tilespmem:s26+$0xFFFFFFD0]  }
0x4f: {  	v8 =	vsel vm0, v10, v8;
	v10 =	vor.u32 s30, v0;
	v1 =	vsel vm10, v1, v2;
	v6 =	vld [tilespmem:s29+$0xFFFFFFE0]  }
0x50: {  	s30 =	sadd.s32 $0xFFFFFFF0, s28;
	v8 =	vsel vm1, v10, v8;
	vm11 =	vgt.f32 v3, v1;
	v2 =	vld [tilespmem:s26+$0xFFFFFFE0]  }
0x51: {  	v10 =	vor.u32 s30, v0;
	v1 =	vsel vm11, v3, v1;
	v3 =	vld [tilespmem:s26+$0xFFFFFFF0];
	v4 =	vadd.f32 v9, v4  }
0x52: {  	v8 =	vsel vm10, v10, v8;
	v10 =	vor.u32 s28, v0;
	v9 =	vld [tilespmem:s29+$0xFFFFFFF0]  }
0x53: {  	v8 =	vsel vm11, v10, v8;
	v10 =	vld [tilespmem:s26+$0x0];
	v5 =	vadd.f32 v7, v5;
	vm12 =	vgt.f32 v4, v1  }
0x54: {  	s28 =	simm.s32 $0x3E80;
	v7 =	vld [tilespmem:s29+$0x0];
	v4 =	vsel vm12, v4, v1  }
0x55: {  	v11 =	vor.u32 s28, v0;
	s28 =	simm.s32 $0x3E90;
	v6 =	vadd.f32 v2, v6;
	v1 =	vld [tilespmem:s29+$0x10];
	vm13 =	vgt.f32 v5, v4  }
0x56: {  	v8 =	vsel vm12, v11, v8;
	v11 =	vor.u32 s28, v0;
	v5 =	vsel vm13, v5, v4;
	v4 =	vld [tilespmem:s26+$0x10]  }
0x57: {  	s30 =	simm.s32 $0x3EB0;
	v2 =	vld [tilespmem:s29+$0x20];
	s28 =	simm.s32 $0x3EA0;
	v9 =	vadd.f32 v3, v9;
	v3 =	vsel vm13, v11, v8;
	vm14 =	vgt.f32 v6, v5  }
0x58: {  	v8 =	vor.u32 s28, v0;
	v11 =	vor.u32 s30, v0;
	v6 =	vsel vm14, v6, v5;
	v5 =	vld [tilespmem:s26+$0x20]  }
0x59: {  	s31 =	simm.s32 $0x3EC0;
	v7 =	vadd.f32 v10, v7;
	v8 =	vsel vm14, v8, v3;
	v3 =	vld [tilespmem:s29+$0x30];
	vm15 =	vgt.f32 v9, v6  }
0x5a: {  	s28 =	simm.s32 $0x3EF0;
	s30 =	simm.s32 $0x3F40;
	s29 =	simm.s32 $0x0;
	v9 =	vsel vm15, v9, v6;
	v8 =	vsel vm15, v11, v8;
	v6 =	vld [tilespmem:s26+$0x30]  }
.LBB2_4:
0x5b: {  	v10 =	vld [tilespmem:s30+$0xFFFFFFC0];
	v11 =	vor.u32 s31, v0;
	vm0 =	vgt.f32 v7, v9;
	v1 =	vadd.f32 v4, v1;
	s26 =	sadd.s32 $0x80, s26  }
0x5c: {  	s29 =	sadd.s32 $0x8, s29;
	s31 =	sadd.s32 $0xFFFFFFE0, s28;
	v4 =	vld [tilespmem:s26+$0xFFFFFFC0];
	v7 =	vsel vm0, v7, v9;
	v8 =	vsel vm0, v11, v8  }
0x5d: {  	p0 =	slt.u32 s29, $0x3E0;
	v11 =	vor.u32 s31, v0;
	v9 =	vld [tilespmem:s30+$0xFFFFFFD0];
	vm0 =	vgt.f32 v1, v7;
	v2 =	vadd.f32 v5, v2  }
0x5e: {  	s31 =	sadd.s32 $0xFFFFFFF0, s28;
	v5 =	vld [tilespmem:s26+$0xFFFFFFD0];
	v1 =	vsel vm0, v1, v7;
	v7 =	vsel vm0, v11, v8  }
0x5f: {  	v11 =	vor.u32 s31, v0;
	v8 =	vld [tilespmem:s30+$0xFFFFFFE0];
	vm0 =	vgt.f32 v2, v1;
	v3 =	vadd.f32 v6, v3  }
0x60: {  	v6 =	vld [tilespmem:s26+$0xFFFFFFE0];
	v1 =	vsel vm0, v2, v1;
	v2 =	vsel vm0, v11, v7  }
0x61: {  	v4 =	vadd.f32 v4, v10;
	v7 =	vld [tilespmem:s30+$0xFFFFFFF0];
	v10 =	vor.u32 s28, v0;
	vm0 =	vgt.f32 v3, v1;
	s28 =	sadd.s32 $0x80, s28  }
0x62: {  	s31 =	sadd.s32 $0xFFFFFF90, s28;
	v11 =	vld [tilespmem:s26+$0xFFFFFFF0];
	v1 =	vsel vm0, v3, v1;
	v2 =	vsel vm0, v10, v2  }
0x63: {  	v3 =	vor.u32 s31, v0;
	vm0 =	vgt.f32 v4, v1;
	v5 =	vadd.f32 v5, v9;
	v9 =	vld [tilespmem:s30+$0x0]  }
0x64: {  	s31 =	sadd.s32 $0xFFFFFFA0, s28;
	v4 =	vsel vm0, v4, v1;
	v2 =	vsel vm0, v3, v2;
	v3 =	vld [tilespmem:s26+$0x0]  }
0x65: {  	v10 =	vor.u32 s31, v0;
	vm0 =	vgt.f32 v5, v4;
	v6 =	vadd.f32 v6, v8;
	v1 =	vld [tilespmem:s30+$0x10]  }
.Ltmp1:
0x66: {  	s31 =	sadd.s32 $0xFFFFFFB0, s28;
	v5 =	vsel vm0, v5, v4;
	v8 =	vsel vm0, v10, v2;
	v4 =	vld [tilespmem:s26+$0x10];
	(pc) =	sbr.rel @p0 .LBB2_4-.Ltmp1, $4  }
0x67: {  	v10 =	vor.u32 s31, v0;
	vm0 =	vgt.f32 v6, v5;
	v11 =	vadd.f32 v11, v7;
	v2 =	vld [tilespmem:s30+$0x20]  }
0x68: {  	s31 =	sadd.s32 $0xFFFFFFC0, s28;
	v6 =	vsel vm0, v6, v5;
	v8 =	vsel vm0, v10, v8;
	v5 =	vld [tilespmem:s26+$0x20]  }
0x69: {  	v10 =	vor.u32 s31, v0;
	vm0 =	vgt.f32 v11, v6;
	v7 =	vadd.f32 v3, v9;
	v3 =	vld [tilespmem:s30+$0x30]  }
0x6a: {  	s31 =	sadd.s32 $0xFFFFFFD0, s28;
	s30 =	sadd.s32 $0x80, s30;
	v9 =	vsel vm0, v11, v6;
	v8 =	vsel vm0, v10, v8;
	v6 =	vld [tilespmem:s26+$0x30]  }
0x6b: {  	vm0 =	vgt.f32 v7, v9;
	v1 =	vadd.f32 v4, v1  }
0x6c: {  	v4 =	vsel vm0, v7, v9  }
0x6d: {  	v7 =	vor.u32 s31, v0;
	vm1 =	vgt.f32 v1, v4;
	v2 =	vadd.f32 v5, v2  }
0x6e: {  	s26 =	sadd.s32 $0xFFFFFFE0, s28;
	v5 =	vsel vm0, v7, v8;
	v1 =	vsel vm1, v1, v4  }
0x6f: {  	v4 =	vor.u32 s26, v0;
	s26 =	sadd.s32 $0xFFFFFFF0, s28;
	vm10 =	vgt.f32 v2, v1;
	v3 =	vadd.f32 v6, v3  }
0x70: {  	v4 =	vsel vm1, v4, v5;
	v5 =	vor.u32 s26, v0;
	v1 =	vsel vm10, v2, v1  }
0x71: {  	v2 =	vsel vm10, v5, v4;
	v4 =	vor.u32 s28, v0;
	vm11 =	vgt.f32 v3, v1  }
0x72: {  	v2 =	vsel vm11, v4, v2  }
0x73: {  	v1 =	vsel vm11, v3, v1;
	v2 =	vsub.s32 $0x0, v2  }
0x74: {  	(xrf1) =	vsort.ascd.msk.u32 $0xffff, v2, v1;
	_ =	sdelay $0xd  }
0x75: {  	v1, v2, _ =	vpop (xrf1)  }
0x76: {  	v1 =	vsub.s32 $0x0, v1  }
0x77: {  	(xrf1) =	vsort.ascd.msk.f32 $0xffff, v2, v1;
	_ =	sdelay $0xd  }
0x78: {  	_, v1, _ =	vpop (xrf1)  }
0x79: {  	[tilespmem:$0xFA00] =	vst v1  }
0x7a: {  	[hbm4b:s9+s1] =	stream.linear.scatter [tilespmem:s23], [sflag:$0x5], $0x80, $0x38;
	[tilespmem:$0xFA80] =	vst v63  }
0x7b: {  	_ =	swait.ge [sflag:s24], $0x80  }
0x7c: {  	[sflag:s24] =	ssyncset.done $0x0  }
0x7d: {  	[sflag:s24] =	ssyncadd.s32 $0xFFFFFF80  }
0x7e: {  	_ =	swait.ge [sflag:s17], $0x3E80  }
0x7f: {  	[sflag:s17] =	ssyncset.done $0x0  }
0x80: {  	[sflag:s17] =	ssyncadd.s32 $0xFFFFC180  }
0x81: {  	_ =	swait.ge [sflag:s18], $0x3E80  }
0x82: {  	[sflag:s18] =	ssyncset.done $0x0  }
0x83: {  	[sflag:s18] =	ssyncadd.s32 $0xFFFFC180  }
0x84: {  	[tilespmem:s19], [sflag:$0x2] =	stream.strided.gather [hbm4b:s10+s14], $0x3E80, s15, s14, $0x38;
	[tilespmem:$0xFA80] =	vst v63  }
0x85: {  	s29 =	simm.s32 $0x40  }
0x86: {  	[tilespmem:s20], [sflag:$0x4] =	stream.strided.gather [hbm4b:s11+s14], $0x3E80, s15, s14, $0x38;
	[tilespmem:$0xFA80] =	vst v63  }
0x87: {  	s26 =	simm.s32 $0x7D40;
	v1 =	vld [tilespmem:s29+$0xFFFFFFC0]  }
0x88: {  	v2 =	vld [tilespmem:s26+$0xFFFFFFC0]  }
0x89: {  	v3 =	vld [tilespmem:s29+$0xFFFFFFD0]  }
0x8a: {  	v4 =	vld [tilespmem:s26+$0xFFFFFFD0]  }
0x8b: {  	v5 =	vld [tilespmem:s29+$0xFFFFFFE0]  }
0x8c: {  	v6 =	vld [tilespmem:s26+$0xFFFFFFE0]  }
0x8d: {  	v7 =	vld [tilespmem:s29+$0xFFFFFFF0];
	v1 =	vadd.f32 v2, v1  }
0x8e: {  	v8 =	vld [tilespmem:s26+$0xFFFFFFF0];
	v2 =	vimm.f32 $-Inf  }
0x8f: {  	s28 =	simm.s32 $0x0;
	v9 =	vld [tilespmem:s29+$0x0];
	v3 =	vadd.f32 v4, v3;
	vm12 =	vgt.f32 v1, v2  }
0x90: {  	v11 =	vor.u32 s28, v0;
	v10 =	vld [tilespmem:s26+$0x0];
	v1 =	vsel vm12, v1, v2  }
0x91: {  	s30 =	simm.s32 $0x30;
	v4 =	vimm.s32 $0x0;
	v5 =	vadd.f32 v6, v5;
	v2 =	vld [tilespmem:s29+$0x10];
	vm13 =	vgt.f32 v3, v1  }
0x92: {  	v12 =	vor.u32 s30, v0;
	s28 =	simm.s32 $0x10;
	v6 =	vsel vm12, v11, v4;
	v4 =	vld [tilespmem:s26+$0x10];
	v3 =	vsel vm13, v3, v1  }
0x93: {  	v8 =	vadd.f32 v8, v7;
	v11 =	vor.u32 s28, v0;
	s28 =	simm.s32 $0x20;
	v1 =	vld [tilespmem:s29+$0x20];
	vm14 =	vgt.f32 v5, v3  }
0x94: {  	v7 =	vor.u32 s28, v0;
	v6 =	vsel vm13, v11, v6;
	v11 =	vsel vm14, v5, v3;
	v5 =	vld [tilespmem:s26+$0x20]  }
0x95: {  	s31 =	simm.s32 $0x40;
	v6 =	vsel vm14, v7, v6;
	v3 =	vld [tilespmem:s29+$0x30];
	v7 =	vadd.f32 v10, v9;
	vm15 =	vgt.f32 v8, v11  }
0x96: {  	s30 =	simm.s32 $0xC0;
	s28 =	simm.s32 $0x70;
	s29 =	simm.s32 $0x0;
	v9 =	vsel vm15, v8, v11;
	v8 =	vsel vm15, v12, v6;
	v6 =	vld [tilespmem:s26+$0x30]  }
.LBB2_6:
0x97: {  	v10 =	vld [tilespmem:s30+$0xFFFFFFC0];
	v11 =	vor.u32 s31, v0;
	vm0 =	vgt.f32 v7, v9;
	v2 =	vadd.f32 v4, v2;
	s26 =	sadd.s32 $0x80, s26  }
0x98: {  	s29 =	sadd.s32 $0x8, s29;
	s31 =	sadd.s32 $0xFFFFFFE0, s28;
	v4 =	vld [tilespmem:s26+$0xFFFFFFC0];
	v7 =	vsel vm0, v7, v9;
	v8 =	vsel vm0, v11, v8  }
0x99: {  	p0 =	slt.u32 s29, $0x3E0;
	v11 =	vor.u32 s31, v0;
	v9 =	vld [tilespmem:s30+$0xFFFFFFD0];
	vm0 =	vgt.f32 v2, v7;
	v1 =	vadd.f32 v5, v1  }
0x9a: {  	s31 =	sadd.s32 $0xFFFFFFF0, s28;
	v5 =	vld [tilespmem:s26+$0xFFFFFFD0];
	v2 =	vsel vm0, v2, v7;
	v7 =	vsel vm0, v11, v8  }
0x9b: {  	v11 =	vor.u32 s31, v0;
	v8 =	vld [tilespmem:s30+$0xFFFFFFE0];
	vm0 =	vgt.f32 v1, v2;
	v3 =	vadd.f32 v6, v3  }
0x9c: {  	v6 =	vld [tilespmem:s26+$0xFFFFFFE0];
	v1 =	vsel vm0, v1, v2;
	v2 =	vsel vm0, v11, v7  }
0x9d: {  	v4 =	vadd.f32 v4, v10;
	v7 =	vld [tilespmem:s30+$0xFFFFFFF0];
	v10 =	vor.u32 s28, v0;
	vm0 =	vgt.f32 v3, v1;
	s28 =	sadd.s32 $0x80, s28  }
0x9e: {  	s31 =	sadd.s32 $0xFFFFFF90, s28;
	v11 =	vld [tilespmem:s26+$0xFFFFFFF0];
	v1 =	vsel vm0, v3, v1;
	v2 =	vsel vm0, v10, v2  }
0x9f: {  	v3 =	vor.u32 s31, v0;
	vm0 =	vgt.f32 v4, v1;
	v5 =	vadd.f32 v5, v9;
	v9 =	vld [tilespmem:s30+$0x0]  }
0xa0: {  	s31 =	sadd.s32 $0xFFFFFFA0, s28;
	v1 =	vsel vm0, v4, v1;
	v3 =	vsel vm0, v3, v2;
	v10 =	vld [tilespmem:s26+$0x0]  }
0xa1: {  	v4 =	vor.u32 s31, v0;
	vm0 =	vgt.f32 v5, v1;
	v6 =	vadd.f32 v6, v8;
	v2 =	vld [tilespmem:s30+$0x10]  }
.Ltmp2:
0xa2: {  	s31 =	sadd.s32 $0xFFFFFFB0, s28;
	v5 =	vsel vm0, v5, v1;
	v3 =	vsel vm0, v4, v3;
	v4 =	vld [tilespmem:s26+$0x10];
	(pc) =	sbr.rel @p0 .LBB2_6-.Ltmp2, $4  }
0xa3: {  	v8 =	vor.u32 s31, v0;
	vm0 =	vgt.f32 v6, v5;
	v11 =	vadd.f32 v11, v7;
	v1 =	vld [tilespmem:s30+$0x20]  }
0xa4: {  	s31 =	sadd.s32 $0xFFFFFFC0, s28;
	v6 =	vsel vm0, v6, v5;
	v8 =	vsel vm0, v8, v3;
	v5 =	vld [tilespmem:s26+$0x20]  }
0xa5: {  	v12 =	vor.u32 s31, v0;
	vm0 =	vgt.f32 v11, v6;
	v7 =	vadd.f32 v10, v9;
	v3 =	vld [tilespmem:s30+$0x30]  }
0xa6: {  	s31 =	sadd.s32 $0xFFFFFFD0, s28;
	s30 =	sadd.s32 $0x80, s30;
	v9 =	vsel vm0, v11, v6;
	v8 =	vsel vm0, v12, v8;
	v6 =	vld [tilespmem:s26+$0x30]  }
0xa7: {  	_ =	swait.ge [sflag:s21], $0x3E80  }
0xa8: {  	[sflag:s21] =	ssyncset.done $0x0  }
0xa9: {  	[sflag:s21] =	ssyncadd.s32 $0xFFFFC180  }
0xaa: {  	_ =	swait.ge [sflag:s22], $0x3E80  }
0xab: {  	[sflag:s22] =	ssyncset.done $0x0  }
0xac: {  	s29 =	simm.s32 $0x3EC0;
	vm0 =	vgt.f32 v7, v9;
	v2 =	vadd.f32 v4, v2;
	[sflag:s22] =	ssyncadd.s32 $0xFFFFC180  }
0xad: {  	s26 =	simm.s32 $0xBBC0;
	v7 =	vsel vm0, v7, v9;
	v4 =	vld [tilespmem:s29+$0xFFFFFFC0]  }
0xae: {  	vm1 =	vgt.f32 v2, v7;
	v1 =	vadd.f32 v5, v1;
	v9 =	vld [tilespmem:s26+$0xFFFFFFC0]  }
0xaf: {  	v2 =	vsel vm1, v2, v7;
	v5 =	vld [tilespmem:s29+$0xFFFFFFD0]  }
0xb0: {  	v10 =	vor.u32 s31, v0;
	s30 =	sadd.s32 $0xFFFFFFE0, s28;
	vm10 =	vgt.f32 v1, v2;
	v3 =	vadd.f32 v6, v3;
	v7 =	vld [tilespmem:s26+$0xFFFFFFD0]  }
0xb1: {  	v8 =	vsel vm0, v10, v8;
	v10 =	vor.u32 s30, v0;
	v1 =	vsel vm10, v1, v2;
	v6 =	vld [tilespmem:s29+$0xFFFFFFE0]  }
0xb2: {  	s30 =	sadd.s32 $0xFFFFFFF0, s28;
	v8 =	vsel vm1, v10, v8;
	v2 =	vld [tilespmem:s26+$0xFFFFFFE0];
	vm11 =	vgt.f32 v3, v1  }
0xb3: {  	v10 =	vor.u32 s30, v0;
	v1 =	vsel vm11, v3, v1;
	v3 =	vld [tilespmem:s26+$0xFFFFFFF0];
	v4 =	vadd.f32 v9, v4  }
0xb4: {  	v8 =	vsel vm10, v10, v8;
	v10 =	vor.u32 s28, v0;
	v9 =	vld [tilespmem:s29+$0xFFFFFFF0]  }
0xb5: {  	v8 =	vsel vm11, v10, v8;
	v10 =	vld [tilespmem:s26+$0x0];
	v5 =	vadd.f32 v7, v5;
	vm12 =	vgt.f32 v4, v1  }
0xb6: {  	s28 =	simm.s32 $0x3E80;
	v7 =	vld [tilespmem:s29+$0x0];
	v4 =	vsel vm12, v4, v1  }
0xb7: {  	v11 =	vor.u32 s28, v0;
	s28 =	simm.s32 $0x3E90;
	v6 =	vadd.f32 v2, v6;
	v1 =	vld [tilespmem:s29+$0x10];
	vm13 =	vgt.f32 v5, v4  }
0xb8: {  	v8 =	vsel vm12, v11, v8;
	v11 =	vor.u32 s28, v0;
	v5 =	vsel vm13, v5, v4;
	v4 =	vld [tilespmem:s26+$0x10]  }
0xb9: {  	s30 =	simm.s32 $0x3EB0;
	v2 =	vld [tilespmem:s29+$0x20];
	s28 =	simm.s32 $0x3EA0;
	v9 =	vadd.f32 v3, v9;
	v3 =	vsel vm13, v11, v8;
	vm14 =	vgt.f32 v6, v5  }
0xba: {  	v8 =	vor.u32 s28, v0;
	v11 =	vor.u32 s30, v0;
	v6 =	vsel vm14, v6, v5;
	v5 =	vld [tilespmem:s26+$0x20]  }
0xbb: {  	s31 =	simm.s32 $0x3EC0;
	v7 =	vadd.f32 v10, v7;
	v8 =	vsel vm14, v8, v3;
	v3 =	vld [tilespmem:s29+$0x30];
	vm15 =	vgt.f32 v9, v6  }
0xbc: {  	s28 =	simm.s32 $0x3EF0;
	s30 =	simm.s32 $0x3F40;
	s29 =	simm.s32 $0x0;
	v9 =	vsel vm15, v9, v6;
	v8 =	vsel vm15, v11, v8;
	v6 =	vld [tilespmem:s26+$0x30]  }
.LBB2_8:
0xbd: {  	v10 =	vld [tilespmem:s30+$0xFFFFFFC0];
	v11 =	vor.u32 s31, v0;
	vm0 =	vgt.f32 v7, v9;
	v1 =	vadd.f32 v4, v1;
	s26 =	sadd.s32 $0x80, s26  }
0xbe: {  	s29 =	sadd.s32 $0x8, s29;
	s31 =	sadd.s32 $0xFFFFFFE0, s28;
	v4 =	vld [tilespmem:s26+$0xFFFFFFC0];
	v7 =	vsel vm0, v7, v9;
	v8 =	vsel vm0, v11, v8  }
0xbf: {  	p0 =	slt.u32 s29, $0x3E0;
	v11 =	vor.u32 s31, v0;
	v9 =	vld [tilespmem:s30+$0xFFFFFFD0];
	vm0 =	vgt.f32 v1, v7;
	v2 =	vadd.f32 v5, v2  }
0xc0: {  	s31 =	sadd.s32 $0xFFFFFFF0, s28;
	v5 =	vld [tilespmem:s26+$0xFFFFFFD0];
	v1 =	vsel vm0, v1, v7;
	v7 =	vsel vm0, v11, v8  }
0xc1: {  	v11 =	vor.u32 s31, v0;
	v8 =	vld [tilespmem:s30+$0xFFFFFFE0];
	vm0 =	vgt.f32 v2, v1;
	v3 =	vadd.f32 v6, v3  }
0xc2: {  	v6 =	vld [tilespmem:s26+$0xFFFFFFE0];
	v1 =	vsel vm0, v2, v1;
	v2 =	vsel vm0, v11, v7  }
0xc3: {  	v4 =	vadd.f32 v4, v10;
	v7 =	vld [tilespmem:s30+$0xFFFFFFF0];
	v10 =	vor.u32 s28, v0;
	vm0 =	vgt.f32 v3, v1;
	s28 =	sadd.s32 $0x80, s28  }
0xc4: {  	s31 =	sadd.s32 $0xFFFFFF90, s28;
	v11 =	vld [tilespmem:s26+$0xFFFFFFF0];
	v1 =	vsel vm0, v3, v1;
	v2 =	vsel vm0, v10, v2  }
0xc5: {  	v3 =	vor.u32 s31, v0;
	vm0 =	vgt.f32 v4, v1;
	v5 =	vadd.f32 v5, v9;
	v9 =	vld [tilespmem:s30+$0x0]  }
0xc6: {  	s31 =	sadd.s32 $0xFFFFFFA0, s28;
	v4 =	vsel vm0, v4, v1;
	v2 =	vsel vm0, v3, v2;
	v3 =	vld [tilespmem:s26+$0x0]  }
0xc7: {  	v10 =	vor.u32 s31, v0;
	vm0 =	vgt.f32 v5, v4;
	v6 =	vadd.f32 v6, v8;
	v1 =	vld [tilespmem:s30+$0x10]  }
.Ltmp3:
0xc8: {  	s31 =	sadd.s32 $0xFFFFFFB0, s28;
	v5 =	vsel vm0, v5, v4;
	v8 =	vsel vm0, v10, v2;
	v4 =	vld [tilespmem:s26+$0x10];
	(pc) =	sbr.rel @p0 .LBB2_8-.Ltmp3, $4  }
0xc9: {  	v10 =	vor.u32 s31, v0;
	vm0 =	vgt.f32 v6, v5;
	v11 =	vadd.f32 v11, v7;
	v2 =	vld [tilespmem:s30+$0x20]  }
0xca: {  	s31 =	sadd.s32 $0xFFFFFFC0, s28;
	v6 =	vsel vm0, v6, v5;
	v8 =	vsel vm0, v10, v8;
	v5 =	vld [tilespmem:s26+$0x20]  }
0xcb: {  	v10 =	vor.u32 s31, v0;
	vm0 =	vgt.f32 v11, v6;
	v7 =	vadd.f32 v3, v9;
	v3 =	vld [tilespmem:s30+$0x30]  }
0xcc: {  	s31 =	sadd.s32 $0xFFFFFFD0, s28;
	s30 =	sadd.s32 $0x80, s30;
	v9 =	vsel vm0, v11, v6;
	v8 =	vsel vm0, v10, v8;
	v6 =	vld [tilespmem:s26+$0x30]  }
0xcd: {  	vm0 =	vgt.f32 v7, v9;
	v1 =	vadd.f32 v4, v1  }
0xce: {  	v58 =	vsel vm0, v7, v9  }
0xcf: {  	v59 =	vor.u32 s31, v0;
	vm1 =	vgt.f32 v1, v58;
	v2 =	vadd.f32 v5, v2  }
0xd0: {  	s26 =	sadd.s32 $0xFFFFFFE0, s28;
	v60 =	vsel vm0, v59, v8;
	v1 =	vsel vm1, v1, v58  }
0xd1: {  	s31 =	sadd.s32 $0xFFFFFFF0, s28;
	v61 =	vor.u32 s26, v0;
	vm14 =	vgt.f32 v2, v1;
	v3 =	vadd.f32 v6, v3  }
0xd2: {  	v62 =	vor.u32 s31, v0;
	v4 =	vsel vm1, v61, v60;
	v1 =	vsel vm14, v2, v1  }
0xd3: {  	v63 =	vor.u32 s28, v0;
	v2 =	vsel vm14, v62, v4;
	vm15 =	vgt.f32 v3, v1  }
0xd4: {  	v2 =	vsel vm15, v63, v2  }
0xd5: {  	v1 =	vsel vm15, v3, v1;
	v2 =	vsub.s32 $0x0, v2  }
0xd6: {  	(xrf1) =	vsort.ascd.msk.u32 $0xffff, v2, v1;
	_ =	sdelay $0xd  }
0xd7: {  	v1, v2, _ =	vpop (xrf1)  }
0xd8: {  	v1 =	vsub.s32 $0x0, v1  }
0xd9: {  	(xrf1) =	vsort.ascd.msk.f32 $0xffff, v2, v1;
	_ =	sdelay $0xc  }
0xda: {  	s25 =	sadd.s32 $0x1, s25  }
0xdb: {  	p0 =	sne.s32 s25, s13;
	_, v1, _ =	vpop (xrf1)  }
.Ltmp4:
0xdc: {  	[tilespmem:$0xFA00] =	vst v1;
	(pc) =	sbr.rel @p0 .LBB2_1-.Ltmp4, $4  }
0xdd: {  	[hbm4b:s12+s1] =	stream.linear.scatter [tilespmem:s23], [sflag:$0x5], $0x80, $0x38;
	[tilespmem:$0xFA80] =	vst v63  }
0xde: {  	_ =	swait.ge [sflag:s24], $0x80  }
0xdf: {  	[sflag:s24] =	ssyncset.done $0x0  }
0xe0: {  	[sflag:s24] =	ssyncadd.s32 $0xFFFFFF80  }
0xe1: {  	_ =	sfence.sel $0x180000  }
0xe2: {  	[bflag:$0x0] =	sbarrier.arrive $0xFFFF  }
0xe3: {  	p0 =	sne.s32 s2, $0x0;
	_ =	strace $0x90000047  }
0xe4: {  	s0 =	sadd.s32 @!p0 $0x100000, s0;
	[bflag:$0x2] =	sbarrier.arrive $0xFFFF  }
0xe5: {  	[sflag:s0] =	ssyncadd.tile.s32 @!p0 $0x1;
	_ =	shalt  }
.Lfunc_end2:
_tile_overlayer_lowered:
.L_overlay_start_2:
0xe6: {  	(tag) =	ssettag $0x2  }
0xe7: {  	s0 =	rddreg [dreg:$0x0];
	s2 =	stileid.u32  }
0xe8: {  	s1 =	rddreg [dreg:$0x1];
	p0 =	sne.s32 s2, $0x0  }
0xe9: {  	s3 =	rddreg [dreg:$0x2];
	[bflag:$0x3] =	sbarrier.arrive $0xFFFF;
	s2 =	simm.s32 @!p0 $0x1C05  }
0xea: {  	[timem:s3], [sflag:s2] =	dma.local @!p0 [hbm:s0], s1  }
0xeb: {  	s0 =	simm.s32 @!p0 $0x5  }
0xec: {  	_ =	swait.ge @!p0 [sflag:s0], s1  }
0xed: {  	s1 =	ssub.s32 @!p0 $0x0, s1;
	[sflag:s0] =	ssyncset.done @!p0 $0x0  }
0xee: {  	[sflag:s0] =	ssyncadd.s32 @!p0 s1  }
0xef: {  	[bflag:$0x3] =	sbarrier.arrive $0xFFFF  }
0xf0: {  	_ =	shalt  }

</sc_bundles>
